<compile_context>
chip_gen: v7x
topology: tpu7x:2x2x1
jax: 0.10.2.dev20260603
libtpu: 0.0.44.dev20260713+nightly
codegen_flags: <defaults>
</compile_context>

<pallas_src>
import functools
import math

import jax
import jax.numpy as jnp
import numpy as np
from jax import lax
from jax.experimental import pallas as pl
from jax.experimental.pallas import tpu as pltpu
from jax.experimental.pallas import tpu_sc as plsc

B = 1
L = 8192
D_MODEL = 768
N_HEADS = 12
D_HEAD = D_MODEL // N_HEADS
FACTOR = 5
U = 50
HP = 64
RP = N_HEADS * HP
LB = 512
SCALE = 1.0 / math.sqrt(D_HEAD)

_PERM = np.array([
    7548, 117, 4276, 3195, 2524, 7268, 992, 7428, 2653, 7002, 3216, 6229,
    7279, 6261, 3829, 5603, 3085, 2877, 639, 4071, 3998, 155, 2329, 3797,
    6988, 7080, 2286, 371, 3922, 6597, 7230, 3839, 5855, 208, 7795, 1989,
    3959, 2032, 860, 139, 2824, 2753, 8159, 3831, 2624, 1390, 1164, 575,
    271, 6791], dtype=np.int32)



def _ksample_kernel(kp_ref, wk_ref, bk_ref, out_ref):
    out_ref[...] = jnp.dot(kp_ref[...], wk_ref[...],
                           preferred_element_type=jnp.float32) + bk_ref[...]


def _ksample(keys_perm_pad, W_K, b_K):
    return pl.pallas_call(
        _ksample_kernel,
        out_shape=jax.ShapeDtypeStruct((56, D_MODEL), jnp.float32),
    )(keys_perm_pad, W_K, b_K.reshape(1, D_MODEL))



def _m_kernel(q_ref, wq_ref, bq_ref, kst_ref, m_ref):
    Q = jnp.dot(q_ref[...], wq_ref[...],
                preferred_element_type=jnp.float32) + bq_ref[...]
    cols = []
    for h in range(N_HEADS):
        s = jnp.dot(Q[:, h * D_HEAD:(h + 1) * D_HEAD],
                    kst_ref[h * D_HEAD:(h + 1) * D_HEAD, :],
                    preferred_element_type=jnp.float32)
        cols.append(jnp.max(s, axis=-1) - jnp.sum(s, axis=-1) / U)
    m_ref[...] = jnp.transpose(jnp.stack(cols, axis=-1))


def _compute_m(queries2d, W_Q, b_Q, KsT):
    return pl.pallas_call(
        _m_kernel,
        grid=(L // LB,),
        in_specs=[
            pl.BlockSpec((LB, D_MODEL), lambda i: (i, 0)),
            pl.BlockSpec((D_MODEL, D_MODEL), lambda i: (0, 0)),
            pl.BlockSpec((1, D_MODEL), lambda i: (0, 0)),
            pl.BlockSpec((D_MODEL, U), lambda i: (0, 0)),
        ],
        out_specs=pl.BlockSpec((N_HEADS, LB), lambda i: (0, i)),
        out_shape=jax.ShapeDtypeStruct((N_HEADS, L), jnp.float32),
    )(queries2d, W_Q, b_Q.reshape(1, D_MODEL), KsT)



GB = 1024
_B_PER_W = GB // 32


def _sc_gather(table, idx):
    mesh = plsc.VectorSubcoreMesh(core_axis_name="c", subcore_axis_name="s")

    @functools.partial(
        pl.kernel, mesh=mesh,
        out_type=jax.ShapeDtypeStruct((GB, D_MODEL), jnp.float32),
        scratch_types=[pltpu.VMEM((_B_PER_W,), jnp.int32),
                       pltpu.VMEM((_B_PER_W, D_MODEL), jnp.float32),
                       pltpu.SemaphoreType.DMA],
    )
    def k(table_hbm, idx_hbm, out_hbm, idx_v, rows_v, sem):
        wid = lax.axis_index("s") * 2 + lax.axis_index("c")
        base = wid * _B_PER_W
        pltpu.sync_copy(idx_hbm.at[pl.ds(base, _B_PER_W)], idx_v)
        pltpu.async_copy(table_hbm.at[idx_v], rows_v, sem).wait()
        pltpu.sync_copy(rows_v, out_hbm.at[pl.ds(base, _B_PER_W)])

    return k(table, idx)



def _e_kernel(g_ref, wq_ref, bq_ref, wk_ref, bk_ref, r_ref, c_ref):
    G = g_ref[...]
    WQ = wq_ref[...]
    WK = wk_ref[...]
    for h in range(N_HEADS):
        sl = slice(h * D_HEAD, (h + 1) * D_HEAD)
        qr = jnp.dot(G[h * HP:(h + 1) * HP, :], WQ[:, sl],
                     preferred_element_type=jnp.float32) + bq_ref[:, sl]
        r_ref[h * HP:(h + 1) * HP, :] = jnp.dot(
            qr, WK[:, sl].T, preferred_element_type=jnp.float32)
        c_ref[h * HP:(h + 1) * HP, :] = jnp.dot(
            qr, bk_ref[:, sl].T, preferred_element_type=jnp.float32)


def _stage_e(G_pad, W_Q, b_Q, W_K, b_K):
    return pl.pallas_call(
        _e_kernel,
        out_shape=(jax.ShapeDtypeStruct((RP, D_MODEL), jnp.float32),
                   jax.ShapeDtypeStruct((RP, 1), jnp.float32)),
    )(G_pad, W_Q, b_Q.reshape(1, D_MODEL), W_K, b_K.reshape(1, D_MODEL))



def _f_kernel(r_ref, c_ref, k_ref, s_ref, m_ref, l_ref, mm_ref, ss_ref):
    i = pl.program_id(0)

    @pl.when(i == 0)
    def _init():
        mm_ref[...] = jnp.full((RP, 1), -jnp.inf, jnp.float32)
        ss_ref[...] = jnp.zeros((RP, 1), jnp.float32)

    s = jax.lax.dot_general(
        r_ref[...], k_ref[...], (((1,), (1,)), ((), ())),
        preferred_element_type=jnp.float32)
    s = (s + c_ref[...]) * SCALE
    s_ref[...] = s
    m_old = mm_ref[...]
    m_new = jnp.maximum(m_old, jnp.max(s, axis=-1, keepdims=True))
    mm_ref[...] = m_new
    ss_ref[...] = ss_ref[...] * jnp.exp(m_old - m_new) + jnp.sum(
        jnp.exp(s - m_new), axis=-1, keepdims=True)

    @pl.when(i == pl.num_programs(0) - 1)
    def _fin():
        m_ref[...] = mm_ref[...]
        l_ref[...] = ss_ref[...]


def _stage_f(R_pad, c_pad, keys2d):
    return pl.pallas_call(
        _f_kernel,
        grid=(L // LB,),
        in_specs=[
            pl.BlockSpec((RP, D_MODEL), lambda i: (0, 0)),
            pl.BlockSpec((RP, 1), lambda i: (0, 0)),
            pl.BlockSpec((LB, D_MODEL), lambda i: (i, 0)),
        ],
        out_specs=(pl.BlockSpec((RP, LB), lambda i: (0, i)),
                   pl.BlockSpec((RP, 1), lambda i: (0, 0)),
                   pl.BlockSpec((RP, 1), lambda i: (0, 0))),
        out_shape=(jax.ShapeDtypeStruct((RP, L), jnp.float32),
                   jax.ShapeDtypeStruct((RP, 1), jnp.float32),
                   jax.ShapeDtypeStruct((RP, 1), jnp.float32)),
        scratch_shapes=[pltpu.VMEM((RP, 1), jnp.float32),
                        pltpu.VMEM((RP, 1), jnp.float32)],
    )(R_pad, c_pad, keys2d)



def _g_kernel(s_ref, m_ref, l_ref, v_ref, attn_ref, t_ref, vs_ref,
              tacc_ref, vacc_ref):
    i = pl.program_id(0)

    @pl.when(i == 0)
    def _init():
        tacc_ref[...] = jnp.zeros((RP, D_MODEL), jnp.float32)
        vacc_ref[...] = jnp.zeros((1, D_MODEL), jnp.float32)

    attn = jnp.exp(s_ref[...] - m_ref[...]) / l_ref[...]
    attn_ref[...] = attn.reshape(N_HEADS, HP, LB)[:, :U, :]
    v = v_ref[...]
    tacc_ref[...] += jax.lax.dot_general(
        attn, v, (((1,), (0,)), ((), ())),
        preferred_element_type=jnp.float32)
    vacc_ref[...] += jnp.sum(v, axis=0, keepdims=True)

    @pl.when(i == pl.num_programs(0) - 1)
    def _fin():
        t_ref[...] = tacc_ref[...]
        vs_ref[...] = vacc_ref[...]


def _stage_g(S_pad, m_pad, l_pad, values2d):
    return pl.pallas_call(
        _g_kernel,
        grid=(L // LB,),
        in_specs=[
            pl.BlockSpec((RP, LB), lambda i: (0, i)),
            pl.BlockSpec((RP, 1), lambda i: (0, 0)),
            pl.BlockSpec((RP, 1), lambda i: (0, 0)),
            pl.BlockSpec((LB, D_MODEL), lambda i: (i, 0)),
        ],
        out_specs=(pl.BlockSpec((N_HEADS, U, LB), lambda i: (0, 0, i)),
                   pl.BlockSpec((RP, D_MODEL), lambda i: (0, 0)),
                   pl.BlockSpec((1, D_MODEL), lambda i: (0, 0))),
        out_shape=(jax.ShapeDtypeStruct((N_HEADS, U, L), jnp.float32),
                   jax.ShapeDtypeStruct((RP, D_MODEL), jnp.float32),
                   jax.ShapeDtypeStruct((1, D_MODEL), jnp.float32)),
        scratch_shapes=[pltpu.VMEM((RP, D_MODEL), jnp.float32),
                        pltpu.VMEM((1, D_MODEL), jnp.float32)],
    )(S_pad, m_pad, l_pad, values2d)



def _h_kernel(t_ref, vs_ref, wv_ref, bv_ref, wo_ref, bo_ref,
              delta_ref, base_ref):
    vmean = vs_ref[...] * (1.0 / L)
    WV = wv_ref[...]
    WO = wo_ref[...]
    vmeanV = jnp.dot(vmean, WV, preferred_element_type=jnp.float32) + bv_ref[...]
    base_ref[...] = jnp.dot(vmeanV, WO,
                            preferred_element_type=jnp.float32) + bo_ref[...]
    T = t_ref[...]
    for h in range(N_HEADS):
        sl = slice(h * D_HEAD, (h + 1) * D_HEAD)
        ctx = jnp.dot(T[h * HP:(h + 1) * HP, :], WV[:, sl],
                      preferred_element_type=jnp.float32) + bv_ref[:, sl]
        delta_ref[h * HP:(h + 1) * HP, :] = jnp.dot(
            ctx - vmeanV[:, sl], WO[sl, :], preferred_element_type=jnp.float32)


def _stage_h(T_pad, vsum, W_V, b_V, W_O, b_O):
    return pl.pallas_call(
        _h_kernel,
        out_shape=(jax.ShapeDtypeStruct((RP, D_MODEL), jnp.float32),
                   jax.ShapeDtypeStruct((1, D_MODEL), jnp.float32)),
    )(T_pad, vsum, W_V, b_V.reshape(1, D_MODEL),
      W_O, b_O.reshape(1, D_MODEL))



def _i_kernel(src_ref, dst_ref, base_ref, delta_ref, out_ref):
    out_ref[...] = jnp.broadcast_to(base_ref[...], (L, D_MODEL))

    def body(j, _):
        src = src_ref[j]
        dst = dst_ref[j]
        row = out_ref[pl.ds(dst, 1), :] + delta_ref[pl.ds(src, 1), :]
        out_ref[pl.ds(dst, 1), :] = row
        return 0

    jax.lax.fori_loop(0, N_HEADS * U, body, 0)


def _stage_i(src_idx, dst_idx, base, delta):
    return pl.pallas_call(
        _i_kernel,
        in_specs=[
            pl.BlockSpec(memory_space=pltpu.SMEM),
            pl.BlockSpec(memory_space=pltpu.SMEM),
            pl.BlockSpec(memory_space=pltpu.VMEM),
            pl.BlockSpec(memory_space=pltpu.VMEM),
        ],
        out_shape=jax.ShapeDtypeStruct((L, D_MODEL), jnp.float32),
    )(src_idx, dst_idx, base, delta)



def kernel(queries, keys, values, W_Q, b_Q, W_K, b_K, W_V, b_V, W_O, b_O):
    q2, k2, v2 = queries[0], keys[0], values[0]
    perm = jnp.asarray(_PERM)

    keys_perm = jnp.take(k2, perm, axis=0)
    keys_perm_pad = jnp.pad(keys_perm, ((0, 6), (0, 0)))
    Ksm = _ksample(keys_perm_pad, W_K, b_K)[:U]
    KsT = Ksm.T

    M = _compute_m(q2, W_Q, b_Q, KsT)
    _, M_top = jax.lax.top_k(M, U)

    pad_idx = jnp.zeros((N_HEADS, HP), jnp.int32).at[:, :U].set(M_top)
    flat_idx = jnp.zeros((GB,), jnp.int32).at[:RP].set(pad_idx.reshape(RP))
    G_pad = _sc_gather(q2, flat_idx)[:RP]

    R_pad, c_pad = _stage_e(G_pad, W_Q, b_Q, W_K, b_K)
    S_pad, m_pad, l_pad = _stage_f(R_pad, c_pad, k2)
    attn, T_pad, vsum = _stage_g(S_pad, m_pad, l_pad, v2)

    delta, base = _stage_h(T_pad, vsum, W_V, b_V, W_O, b_O)

    src_idx = (jnp.arange(N_HEADS, dtype=jnp.int32)[:, None] * HP
               + jnp.arange(U, dtype=jnp.int32)[None, :]).reshape(N_HEADS * U)
    dst_idx = M_top.reshape(N_HEADS * U)
    out = _stage_i(src_idx, dst_idx, base, delta)

    return (out[None], attn[None])

# --- scband reference (transcript-rebuilt; emitter-appended) ---
"""Pipeline reference for scband-prob-sparse-self-attention-23149873725440 (READ-ONLY COPY).

The authoritative reference and input builder live on the scoring server;
editing this copy changes nothing except your own understanding.
"""

import jax, jax.numpy as jnp
import numpy as np
import math

B = 1
L = 8192
D_MODEL = 768
N_HEADS = 12
D_HEAD = D_MODEL // N_HEADS
FACTOR = 5


def setup_inputs(seed: int = 0) -> dict:
    key = jax.random.key(seed)
    ks = jax.random.split(key, 12)
    inp = {}
    inp['queries'] = jax.random.normal(ks[0], (B, L, D_MODEL), dtype=jnp.float32)
    inp['keys'] = jax.random.normal(ks[1], (B, L, D_MODEL), dtype=jnp.float32)
    inp['values'] = jax.random.normal(ks[2], (B, L, D_MODEL), dtype=jnp.float32)
    inp['W_Q'] = jax.random.normal(ks[3], (D_MODEL, D_MODEL), dtype=jnp.float32) * 0.02
    inp['b_Q'] = jnp.zeros((D_MODEL,), dtype=jnp.float32)
    inp['W_K'] = jax.random.normal(ks[4], (D_MODEL, D_MODEL), dtype=jnp.float32) * 0.02
    inp['b_K'] = jnp.zeros((D_MODEL,), dtype=jnp.float32)
    inp['W_V'] = jax.random.normal(ks[5], (D_MODEL, D_MODEL), dtype=jnp.float32) * 0.02
    inp['b_V'] = jnp.zeros((D_MODEL,), dtype=jnp.float32)
    inp['W_O'] = jax.random.normal(ks[6], (D_MODEL, D_MODEL), dtype=jnp.float32) * 0.02
    inp['b_O'] = jnp.zeros((D_MODEL,), dtype=jnp.float32)
    return inp


def reference(queries, keys, values, W_Q, b_Q, W_K, b_K, W_V, b_V, W_O, b_O):
    B_, L_Q, _ = queries.shape
    L_K = keys.shape[1]
    Q = (queries @ W_Q + b_Q).reshape(B_, L_Q, N_HEADS, D_HEAD).transpose(0, 2, 1, 3)
    K = (keys @ W_K + b_K).reshape(B_, L_K, N_HEADS, D_HEAD).transpose(0, 2, 1, 3)
    V = (values @ W_V + b_V).reshape(B_, L_K, N_HEADS, D_HEAD).transpose(0, 2, 1, 3)
    U_part = min(FACTOR * int(np.ceil(np.log(L_K))), L_K)
    u = min(FACTOR * int(np.ceil(np.log(L_Q))), L_Q)
    # torch.randperm(L_K)[:sample_k] -> fixed-key jax permutation (sampling is stochastic by design)
    perm = jax.random.permutation(jax.random.key(42), L_K)[:U_part]
    K_sample = K[:, :, perm, :]
    Q_K = jnp.matmul(Q, jnp.swapaxes(K_sample, -2, -1))
    M = Q_K.max(axis=-1) - Q_K.mean(axis=-1)
    _, M_top = jax.lax.top_k(M, u)  # (B, H, u)
    idx = jnp.broadcast_to(M_top[:, :, :, None], (B_, N_HEADS, u, D_HEAD))
    Q_reduce = jnp.take_along_axis(Q, idx, axis=2)
    scale = 1.0 / math.sqrt(D_HEAD)
    scores = jnp.matmul(Q_reduce, jnp.swapaxes(K, -2, -1)) * scale
    attn = jax.nn.softmax(scores, axis=-1)
    # dropout is identity in eval mode
    context = jnp.matmul(attn, V)
    b_idx = jnp.arange(B_)[:, None, None]
    h_idx = jnp.arange(N_HEADS)[None, :, None]
    output = jnp.zeros((B_, N_HEADS, L_Q, D_HEAD), dtype=context.dtype).at[b_idx, h_idx, M_top].set(context)
    V_mean = V.mean(axis=2, keepdims=True)
    mask = jnp.ones((B_, N_HEADS, L_Q, 1), dtype=V.dtype).at[b_idx, h_idx, M_top].set(0.0)
    output = output + mask * V_mean
    output = output.transpose(0, 2, 1, 3).reshape(B_, L_Q, D_MODEL)
    output = output @ W_O + b_O
    return (output, attn)

if __name__ == "__main__":
    import jax
    _d = setup_inputs()
    print(jax.jit(kernel)(*tuple(_d.values())))

</pallas_src>

<mosaic_0001>
#map = affine_map<(d0, d1) -> (0, 0)>
#map1 = affine_map<(d0, d1) -> (0)>
module attributes {stable_mosaic.version = 14 : i64} {
  func.func @k(%arg0: i32, %arg1: i32, %arg2: memref<8192x768xf32, #tpu.memory_space<hbm>>, %arg3: memref<1024xi32, #tpu.memory_space<hbm>>, %arg4: memref<1024x768xf32, #tpu.memory_space<hbm>>, %arg5: memref<32xi32, #tpu.memory_space<vmem>>, %arg6: memref<32x768xf32, #tpu.memory_space<vmem>>, %arg7: memref<!tpu.dma_semaphore, #tpu.memory_space<semaphore_mem>>) attributes {dimension_semantics = [#tpu.dimension_semantics<core_parallel>, #tpu.dimension_semantics<subcore_parallel>], iteration_bounds = array<i64: 2, 16>, scalar_prefetch = 0 : i64, scratch_operands = 3 : i64, tpu.core_type = #tpu.core_type<sc_vector_subcore>, window_params = [{transform_indices = #map}, {transform_indices = #map1}, {transform_indices = #map}]} {
    %mul3A = arith.constant 2 : i32
    %mul3A_0 = arith.muli %arg1, %mul3A : i32
    %add3A = arith.addi %mul3A_0, %arg0 : i32
    %mul3A_1 = arith.constant 32 : i32
    %mul3A_2 = arith.muli %add3A, %mul3A_1 : i32
    "tpu.region"() ({
      %run_scoped3A = tpu.sem_alloc : memref<!tpu.dma_semaphore, #tpu.memory_space<semaphore_mem>>
      %dma_start3A_7 = tpu.memref_slice %arg3[%mul3A_2] : memref<1024xi32, #tpu.memory_space<hbm>> -> memref<32xi32, #tpu.memory_space<hbm>>
      %dma_start3A_8 = tpu.memref_slice %arg3[%mul3A_2] : memref<1024xi32, #tpu.memory_space<hbm>> -> memref<32xi32, #tpu.memory_space<hbm>>
      tpu.enqueue_dma source(%dma_start3A_8 : memref<32xi32, #tpu.memory_space<hbm>>) target(%arg5 : memref<32xi32, #tpu.memory_space<vmem>>) target_semaphore(%run_scoped3A : memref<!tpu.dma_semaphore, #tpu.memory_space<semaphore_mem>>)
      %dma_wait3A_9 = tpu.memref_slice %arg3[%mul3A_2] : memref<1024xi32, #tpu.memory_space<hbm>> -> memref<32xi32, #tpu.memory_space<hbm>>
      %dma_wait3A_10 = tpu.memref_slice %arg3[%mul3A_2] : memref<1024xi32, #tpu.memory_space<hbm>> -> memref<32xi32, #tpu.memory_space<hbm>>
      tpu.wait_dma2 semaphore(%run_scoped3A : memref<!tpu.dma_semaphore, #tpu.memory_space<semaphore_mem>>) src(%dma_wait3A_10 : memref<32xi32, #tpu.memory_space<hbm>>) dst(%arg5 : memref<32xi32, #tpu.memory_space<vmem>>)
      tpu.yield
    }) : () -> ()
    %dma_start3A = arith.constant 0 : i32
    %dma_start3A_3 = arith.constant 0 : i32
    %dma_start3A_4 = tpu.memref_slice %arg2[%dma_start3A, %dma_start3A_3] : memref<8192x768xf32, #tpu.memory_space<hbm>> -> memref<8192x768xf32, #tpu.memory_space<hbm>>
    tpu.enqueue_indirect_dma source(%dma_start3A_4 : memref<8192x768xf32, #tpu.memory_space<hbm>>) target(%arg6 : memref<32x768xf32, #tpu.memory_space<vmem>>) offsets(%arg5 : memref<32xi32, #tpu.memory_space<vmem>>) semaphore(%arg7 : memref<!tpu.dma_semaphore, #tpu.memory_space<semaphore_mem>>)
    %dma_wait3A = arith.constant 0 : i32
    %dma_wait3A_5 = arith.constant 0 : i32
    %dma_wait3A_6 = tpu.memref_slice %arg2[%dma_wait3A, %dma_wait3A_5] : memref<8192x768xf32, #tpu.memory_space<hbm>> -> memref<8192x768xf32, #tpu.memory_space<hbm>>
    tpu.wait_indirect_dma semaphore(%arg7 : memref<!tpu.dma_semaphore, #tpu.memory_space<semaphore_mem>>) src(%dma_wait3A_6 : memref<8192x768xf32, #tpu.memory_space<hbm>>) dst(%arg6 : memref<32x768xf32, #tpu.memory_space<vmem>>)
    "tpu.region"() ({
      %run_scoped3A = tpu.sem_alloc : memref<!tpu.dma_semaphore, #tpu.memory_space<semaphore_mem>>
      %dma_start3A_7 = arith.constant 0 : i32
      %dma_start3A_8 = tpu.memref_slice %arg4[%mul3A_2, %dma_start3A_7] : memref<1024x768xf32, #tpu.memory_space<hbm>> -> memref<32x768xf32, #tpu.memory_space<hbm>>
      %dma_start3A_9 = arith.constant 0 : i32
      %dma_start3A_10 = tpu.memref_slice %arg4[%mul3A_2, %dma_start3A_9] : memref<1024x768xf32, #tpu.memory_space<hbm>> -> memref<32x768xf32, #tpu.memory_space<hbm>>
      tpu.enqueue_dma source(%arg6 : memref<32x768xf32, #tpu.memory_space<vmem>>) target(%dma_start3A_10 : memref<32x768xf32, #tpu.memory_space<hbm>>) target_semaphore(%run_scoped3A : memref<!tpu.dma_semaphore, #tpu.memory_space<semaphore_mem>>)
      %dma_wait3A_11 = arith.constant 0 : i32
      %dma_wait3A_12 = tpu.memref_slice %arg4[%mul3A_2, %dma_wait3A_11] : memref<1024x768xf32, #tpu.memory_space<hbm>> -> memref<32x768xf32, #tpu.memory_space<hbm>>
      %dma_wait3A_13 = arith.constant 0 : i32
      %dma_wait3A_14 = tpu.memref_slice %arg4[%mul3A_2, %dma_wait3A_13] : memref<1024x768xf32, #tpu.memory_space<hbm>> -> memref<32x768xf32, #tpu.memory_space<hbm>>
      tpu.wait_dma2 semaphore(%run_scoped3A : memref<!tpu.dma_semaphore, #tpu.memory_space<semaphore_mem>>) src(%arg6 : memref<32x768xf32, #tpu.memory_space<vmem>>) dst(%dma_wait3A_14 : memref<32x768xf32, #tpu.memory_space<hbm>>)
      tpu.yield
    }) : () -> ()
    return
  }
}

module attributes {stable_mosaic.version = 14 : i64} {
  func.func @_m_kernel(%arg0: i32, %arg1: memref<512x768xf32, #tpu.memory_space<vmem>>, %arg2: memref<768x768xf32, #tpu.memory_space<vmem>>, %arg3: memref<1x768xf32, #tpu.memory_space<vmem>>, %arg4: memref<768x50xf32, #tpu.memory_space<vmem>>, %arg5: memref<12x512xf32, #tpu.memory_space<vmem>>) attributes {dimension_semantics = [#tpu.dimension_semantics<arbitrary>], iteration_bounds = array<i64: 16>, scalar_prefetch = 0 : i64, scratch_operands = 0 : i64, tpu.core_type = #tpu.core_type<tc>, window_params = [{transform_indices = @transform_0, window_bounds = array<i64: 512, 768>}, {pipeline_mode = #tpu.pipeline_mode<synchronous>, transform_indices = @transform_1, window_bounds = array<i64: 768, 768>}, {pipeline_mode = #tpu.pipeline_mode<synchronous>, transform_indices = @transform_2, window_bounds = array<i64: 1, 768>}, {pipeline_mode = #tpu.pipeline_mode<synchronous>, transform_indices = @transform_3, window_bounds = array<i64: 768, 50>}, {transform_indices = @transform_4, window_bounds = array<i64: 12, 512>}]} {
    %get3A = arith.constant 0 : index
    %get3A_0 = arith.constant 0 : index
    %get3A_1 = vector.load %arg1[%get3A, %get3A_0] : memref<512x768xf32, #tpu.memory_space<vmem>>, vector<512x768xf32>
    %get3A_2 = arith.constant 0 : index
    %get3A_3 = arith.constant 0 : index
    %get3A_4 = vector.load %arg2[%get3A_2, %get3A_3] : memref<768x768xf32, #tpu.memory_space<vmem>>, vector<768x768xf32>
    %dot_general3A = arith.constant dense<0.000000e+00> : vector<512x768xf32>
    %dot_general3A_5 = tpu.matmul %get3A_1, %get3A_4, %dot_general3A {dimension_numbers = #tpu.dot_dimension_numbers<[1], [0], [0], [1], [0, 0, 1, 1], [], []>, transpose_lhs_hint = false} : vector<512x768xf32>, vector<768x768xf32>, vector<512x768xf32> -> vector<512x768xf32>
    %get3A_6 = arith.constant 0 : index
    %get3A_7 = arith.constant 0 : index
    %get3A_8 = vector.load %arg3[%get3A_6, %get3A_7] : memref<1x768xf32, #tpu.memory_space<vmem>>, vector<1x768xf32>
    %add3A = vector.broadcast %get3A_8 : vector<1x768xf32> to vector<512x768xf32>
    %add3A_9 = arith.addf %dot_general3A_5, %add3A : vector<512x768xf32>
    %slice3A = vector.extract_strided_slice %add3A_9 {offsets = [0, 0], sizes = [512, 64], strides = [1, 1]} : vector<512x768xf32> to vector<512x64xf32>
    %get3A_10 = arith.constant 0 : index
    %get3A_11 = arith.constant 0 : index
    %get3A_12 = vector.load %arg4[%get3A_10, %get3A_11] : memref<768x50xf32, #tpu.memory_space<vmem>>, vector<64x50xf32>
    %dot_general3A_13 = arith.constant dense<0.000000e+00> : vector<512x50xf32>
    %dot_general3A_14 = tpu.matmul %slice3A, %get3A_12, %dot_general3A_13 {dimension_numbers = #tpu.dot_dimension_numbers<[1], [0], [0], [1], [0, 0, 1, 1], [], []>, transpose_lhs_hint = false} : vector<512x64xf32>, vector<64x50xf32>, vector<512x50xf32> -> vector<512x50xf32>
    %reduce_max3A = arith.constant dense<0xFF800000> : vector<512xf32>
    %reduce_max3A_15 = vector.multi_reduction <maximumf>, %dot_general3A_14, %reduce_max3A [1] : vector<512x50xf32> to vector<512xf32>
    %reduce_sum3A = arith.constant dense<0.000000e+00> : vector<512xf32>
    %reduce_sum3A_16 = vector.multi_reduction <add>, %dot_general3A_14, %reduce_sum3A [1] : vector<512x50xf32> to vector<512xf32>
    %div3A = arith.constant 5.000000e+01 : f32
    %div3A_17 = vector.broadcast %div3A : f32 to vector<512xf32>
    %div3A_18 = arith.divf %reduce_sum3A_16, %div3A_17 : vector<512xf32>
    %sub3A = arith.subf %reduce_max3A_15, %div3A_18 : vector<512xf32>
    %slice3A_19 = vector.extract_strided_slice %add3A_9 {offsets = [0, 64], sizes = [512, 64], strides = [1, 1]} : vector<512x768xf32> to vector<512x64xf32>
    %get3A_20 = arith.constant 64 : index
    %get3A_21 = arith.constant 0 : index
    %get3A_22 = vector.load %arg4[%get3A_20, %get3A_21] : memref<768x50xf32, #tpu.memory_space<vmem>>, vector<64x50xf32>
    %dot_general3A_23 = arith.constant dense<0.000000e+00> : vector<512x50xf32>
    %dot_general3A_24 = tpu.matmul %slice3A_19, %get3A_22, %dot_general3A_23 {dimension_numbers = #tpu.dot_dimension_numbers<[1], [0], [0], [1], [0, 0, 1, 1], [], []>, transpose_lhs_hint = false} : vector<512x64xf32>, vector<64x50xf32>, vector<512x50xf32> -> vector<512x50xf32>
    %reduce_max3A_25 = arith.constant dense<0xFF800000> : vector<512xf32>
    %reduce_max3A_26 = vector.multi_reduction <maximumf>, %dot_general3A_24, %reduce_max3A_25 [1] : vector<512x50xf32> to vector<512xf32>
    %reduce_sum3A_27 = arith.constant dense<0.000000e+00> : vector<512xf32>
    %reduce_sum3A_28 = vector.multi_reduction <add>, %dot_general3A_24, %reduce_sum3A_27 [1] : vector<512x50xf32> to vector<512xf32>
    %div3A_29 = arith.constant 5.000000e+01 : f32
    %div3A_30 = vector.broadcast %div3A_29 : f32 to vector<512xf32>
    %div3A_31 = arith.divf %reduce_sum3A_28, %div3A_30 : vector<512xf32>
    %sub3A_32 = arith.subf %reduce_max3A_26, %div3A_31 : vector<512xf32>
    %slice3A_33 = vector.extract_strided_slice %add3A_9 {offsets = [0, 128], sizes = [512, 64], strides = [1, 1]} : vector<512x768xf32> to vector<512x64xf32>
    %get3A_34 = arith.constant 128 : index
    %get3A_35 = arith.constant 0 : index
    %get3A_36 = vector.load %arg4[%get3A_34, %get3A_35] : memref<768x50xf32, #tpu.memory_space<vmem>>, vector<64x50xf32>
    %dot_general3A_37 = arith.constant dense<0.000000e+00> : vector<512x50xf32>
    %dot_general3A_38 = tpu.matmul %slice3A_33, %get3A_36, %dot_general3A_37 {dimension_numbers = #tpu.dot_dimension_numbers<[1], [0], [0], [1], [0, 0, 1, 1], [], []>, transpose_lhs_hint = false} : vector<512x64xf32>, vector<64x50xf32>, vector<512x50xf32> -> vector<512x50xf32>
    %reduce_max3A_39 = arith.constant dense<0xFF800000> : vector<512xf32>
    %reduce_max3A_40 = vector.multi_reduction <maximumf>, %dot_general3A_38, %reduce_max3A_39 [1] : vector<512x50xf32> to vector<512xf32>
    %reduce_sum3A_41 = arith.constant dense<0.000000e+00> : vector<512xf32>
    %reduce_sum3A_42 = vector.multi_reduction <add>, %dot_general3A_38, %reduce_sum3A_41 [1] : vector<512x50xf32> to vector<512xf32>
    %div3A_43 = arith.constant 5.000000e+01 : f32
    %div3A_44 = vector.broadcast %div3A_43 : f32 to vector<512xf32>
    %div3A_45 = arith.divf %reduce_sum3A_42, %div3A_44 : vector<512xf32>
    %sub3A_46 = arith.subf %reduce_max3A_40, %div3A_45 : vector<512xf32>
    %slice3A_47 = vector.extract_strided_slice %add3A_9 {offsets = [0, 192], sizes = [512, 64], strides = [1, 1]} : vector<512x768xf32> to vector<512x64xf32>
    %get3A_48 = arith.constant 192 : index
    %get3A_49 = arith.constant 0 : index
    %get3A_50 = vector.load %arg4[%get3A_48, %get3A_49] : memref<768x50xf32, #tpu.memory_space<vmem>>, vector<64x50xf32>
    %dot_general3A_51 = arith.constant dense<0.000000e+00> : vector<512x50xf32>
    %dot_general3A_52 = tpu.matmul %slice3A_47, %get3A_50, %dot_general3A_51 {dimension_numbers = #tpu.dot_dimension_numbers<[1], [0], [0], [1], [0, 0, 1, 1], [], []>, transpose_lhs_hint = false} : vector<512x64xf32>, vector<64x50xf32>, vector<512x50xf32> -> vector<512x50xf32>
    %reduce_max3A_53 = arith.constant dense<0xFF800000> : vector<512xf32>
    %reduce_max3A_54 = vector.multi_reduction <maximumf>, %dot_general3A_52, %reduce_max3A_53 [1] : vector<512x50xf32> to vector<512xf32>
    %reduce_sum3A_55 = arith.constant dense<0.000000e+00> : vector<512xf32>
    %reduce_sum3A_56 = vector.multi_reduction <add>, %dot_general3A_52, %reduce_sum3A_55 [1] : vector<512x50xf32> to vector<512xf32>
    %div3A_57 = arith.constant 5.000000e+01 : f32
    %div3A_58 = vector.broadcast %div3A_57 : f32 to vector<512xf32>
    %div3A_59 = arith.divf %reduce_sum3A_56, %div3A_58 : vector<512xf32>
    %sub3A_60 = arith.subf %reduce_max3A_54, %div3A_59 : vector<512xf32>
    %slice3A_61 = vector.extract_strided_slice %add3A_9 {offsets = [0, 256], sizes = [512, 64], strides = [1, 1]} : vector<512x768xf32> to vector<512x64xf32>
    %get3A_62 = arith.constant 256 : index
    %get3A_63 = arith.constant 0 : index
    %get3A_64 = vector.load %arg4[%get3A_62, %get3A_63] : memref<768x50xf32, #tpu.memory_space<vmem>>, vector<64x50xf32>
    %dot_general3A_65 = arith.constant dense<0.000000e+00> : vector<512x50xf32>
    %dot_general3A_66 = tpu.matmul %slice3A_61, %get3A_64, %dot_general3A_65 {dimension_numbers = #tpu.dot_dimension_numbers<[1], [0], [0], [1], [0, 0, 1, 1], [], []>, transpose_lhs_hint = false} : vector<512x64xf32>, vector<64x50xf32>, vector<512x50xf32> -> vector<512x50xf32>
    %reduce_max3A_67 = arith.constant dense<0xFF800000> : vector<512xf32>
    %reduce_max3A_68 = vector.multi_reduction <maximumf>, %dot_general3A_66, %reduce_max3A_67 [1] : vector<512x50xf32> to vector<512xf32>
    %reduce_sum3A_69 = arith.constant dense<0.000000e+00> : vector<512xf32>
    %reduce_sum3A_70 = vector.multi_reduction <add>, %dot_general3A_66, %reduce_sum3A_69 [1] : vector<512x50xf32> to vector<512xf32>
    %div3A_71 = arith.constant 5.000000e+01 : f32
    %div3A_72 = vector.broadcast %div3A_71 : f32 to vector<512xf32>
    %div3A_73 = arith.divf %reduce_sum3A_70, %div3A_72 : vector<512xf32>
    %sub3A_74 = arith.subf %reduce_max3A_68, %div3A_73 : vector<512xf32>
    %slice3A_75 = vector.extract_strided_slice %add3A_9 {offsets = [0, 320], sizes = [512, 64], strides = [1, 1]} : vector<512x768xf32> to vector<512x64xf32>
    %get3A_76 = arith.constant 320 : index
    %get3A_77 = arith.constant 0 : index
    %get3A_78 = vector.load %arg4[%get3A_76, %get3A_77] : memref<768x50xf32, #tpu.memory_space<vmem>>, vector<64x50xf32>
    %dot_general3A_79 = arith.constant dense<0.000000e+00> : vector<512x50xf32>
    %dot_general3A_80 = tpu.matmul %slice3A_75, %get3A_78, %dot_general3A_79 {dimension_numbers = #tpu.dot_dimension_numbers<[1], [0], [0], [1], [0, 0, 1, 1], [], []>, transpose_lhs_hint = false} : vector<512x64xf32>, vector<64x50xf32>, vector<512x50xf32> -> vector<512x50xf32>
    %reduce_max3A_81 = arith.constant dense<0xFF800000> : vector<512xf32>
    %reduce_max3A_82 = vector.multi_reduction <maximumf>, %dot_general3A_80, %reduce_max3A_81 [1] : vector<512x50xf32> to vector<512xf32>
    %reduce_sum3A_83 = arith.constant dense<0.000000e+00> : vector<512xf32>
    %reduce_sum3A_84 = vector.multi_reduction <add>, %dot_general3A_80, %reduce_sum3A_83 [1] : vector<512x50xf32> to vector<512xf32>
    %div3A_85 = arith.constant 5.000000e+01 : f32
    %div3A_86 = vector.broadcast %div3A_85 : f32 to vector<512xf32>
    %div3A_87 = arith.divf %reduce_sum3A_84, %div3A_86 : vector<512xf32>
    %sub3A_88 = arith.subf %reduce_max3A_82, %div3A_87 : vector<512xf32>
    %slice3A_89 = vector.extract_strided_slice %add3A_9 {offsets = [0, 384], sizes = [512, 64], strides = [1, 1]} : vector<512x768xf32> to vector<512x64xf32>
    %get3A_90 = arith.constant 384 : index
    %get3A_91 = arith.constant 0 : index
    %get3A_92 = vector.load %arg4[%get3A_90, %get3A_91] : memref<768x50xf32, #tpu.memory_space<vmem>>, vector<64x50xf32>
    %dot_general3A_93 = arith.constant dense<0.000000e+00> : vector<512x50xf32>
    %dot_general3A_94 = tpu.matmul %slice3A_89, %get3A_92, %dot_general3A_93 {dimension_numbers = #tpu.dot_dimension_numbers<[1], [0], [0], [1], [0, 0, 1, 1], [], []>, transpose_lhs_hint = false} : vector<512x64xf32>, vector<64x50xf32>, vector<512x50xf32> -> vector<512x50xf32>
    %reduce_max3A_95 = arith.constant dense<0xFF800000> : vector<512xf32>
    %reduce_max3A_96 = vector.multi_reduction <maximumf>, %dot_general3A_94, %reduce_max3A_95 [1] : vector<512x50xf32> to vector<512xf32>
    %reduce_sum3A_97 = arith.constant dense<0.000000e+00> : vector<512xf32>
    %reduce_sum3A_98 = vector.multi_reduction <add>, %dot_general3A_94, %reduce_sum3A_97 [1] : vector<512x50xf32> to vector<512xf32>
    %div3A_99 = arith.constant 5.000000e+01 : f32
    %div3A_100 = vector.broadcast %div3A_99 : f32 to vector<512xf32>
    %div3A_101 = arith.divf %reduce_sum3A_98, %div3A_100 : vector<512xf32>
    %sub3A_102 = arith.subf %reduce_max3A_96, %div3A_101 : vector<512xf32>
    %slice3A_103 = vector.extract_strided_slice %add3A_9 {offsets = [0, 448], sizes = [512, 64], strides = [1, 1]} : vector<512x768xf32> to vector<512x64xf32>
    %get3A_104 = arith.constant 448 : index
    %get3A_105 = arith.constant 0 : index
    %get3A_106 = vector.load %arg4[%get3A_104, %get3A_105] : memref<768x50xf32, #tpu.memory_space<vmem>>, vector<64x50xf32>
    %dot_general3A_107 = arith.constant dense<0.000000e+00> : vector<512x50xf32>
    %dot_general3A_108 = tpu.matmul %slice3A_103, %get3A_106, %dot_general3A_107 {dimension_numbers = #tpu.dot_dimension_numbers<[1], [0], [0], [1], [0, 0, 1, 1], [], []>, transpose_lhs_hint = false} : vector<512x64xf32>, vector<64x50xf32>, vector<512x50xf32> -> vector<512x50xf32>
    %reduce_max3A_109 = arith.constant dense<0xFF800000> : vector<512xf32>
    %reduce_max3A_110 = vector.multi_reduction <maximumf>, %dot_general3A_108, %reduce_max3A_109 [1] : vector<512x50xf32> to vector<512xf32>
    %reduce_sum3A_111 = arith.constant dense<0.000000e+00> : vector<512xf32>
    %reduce_sum3A_112 = vector.multi_reduction <add>, %dot_general3A_108, %reduce_sum3A_111 [1] : vector<512x50xf32> to vector<512xf32>
    %div3A_113 = arith.constant 5.000000e+01 : f32
    %div3A_114 = vector.broadcast %div3A_113 : f32 to vector<512xf32>
    %div3A_115 = arith.divf %reduce_sum3A_112, %div3A_114 : vector<512xf32>
    %sub3A_116 = arith.subf %reduce_max3A_110, %div3A_115 : vector<512xf32>
    %slice3A_117 = vector.extract_strided_slice %add3A_9 {offsets = [0, 512], sizes = [512, 64], strides = [1, 1]} : vector<512x768xf32> to vector<512x64xf32>
    %get3A_118 = arith.constant 512 : index
    %get3A_119 = arith.constant 0 : index
    %get3A_120 = vector.load %arg4[%get3A_118, %get3A_119] : memref<768x50xf32, #tpu.memory_space<vmem>>, vector<64x50xf32>
    %dot_general3A_121 = arith.constant dense<0.000000e+00> : vector<512x50xf32>
    %dot_general3A_122 = tpu.matmul %slice3A_117, %get3A_120, %dot_general3A_121 {dimension_numbers = #tpu.dot_dimension_numbers<[1], [0], [0], [1], [0, 0, 1, 1], [], []>, transpose_lhs_hint = false} : vector<512x64xf32>, vector<64x50xf32>, vector<512x50xf32> -> vector<512x50xf32>
    %reduce_max3A_123 = arith.constant dense<0xFF800000> : vector<512xf32>
    %reduce_max3A_124 = vector.multi_reduction <maximumf>, %dot_general3A_122, %reduce_max3A_123 [1] : vector<512x50xf32> to vector<512xf32>
    %reduce_sum3A_125 = arith.constant dense<0.000000e+00> : vector<512xf32>
    %reduce_sum3A_126 = vector.multi_reduction <add>, %dot_general3A_122, %reduce_sum3A_125 [1] : vector<512x50xf32> to vector<512xf32>
    %div3A_127 = arith.constant 5.000000e+01 : f32
    %div3A_128 = vector.broadcast %div3A_127 : f32 to vector<512xf32>
    %div3A_129 = arith.divf %reduce_sum3A_126, %div3A_128 : vector<512xf32>
    %sub3A_130 = arith.subf %reduce_max3A_124, %div3A_129 : vector<512xf32>
    %slice3A_131 = vector.extract_strided_slice %add3A_9 {offsets = [0, 576], sizes = [512, 64], strides = [1, 1]} : vector<512x768xf32> to vector<512x64xf32>
    %get3A_132 = arith.constant 576 : index
    %get3A_133 = arith.constant 0 : index
    %get3A_134 = vector.load %arg4[%get3A_132, %get3A_133] : memref<768x50xf32, #tpu.memory_space<vmem>>, vector<64x50xf32>
    %dot_general3A_135 = arith.constant dense<0.000000e+00> : vector<512x50xf32>
    %dot_general3A_136 = tpu.matmul %slice3A_131, %get3A_134, %dot_general3A_135 {dimension_numbers = #tpu.dot_dimension_numbers<[1], [0], [0], [1], [0, 0, 1, 1], [], []>, transpose_lhs_hint = false} : vector<512x64xf32>, vector<64x50xf32>, vector<512x50xf32> -> vector<512x50xf32>
    %reduce_max3A_137 = arith.constant dense<0xFF800000> : vector<512xf32>
    %reduce_max3A_138 = vector.multi_reduction <maximumf>, %dot_general3A_136, %reduce_max3A_137 [1] : vector<512x50xf32> to vector<512xf32>
    %reduce_sum3A_139 = arith.constant dense<0.000000e+00> : vector<512xf32>
    %reduce_sum3A_140 = vector.multi_reduction <add>, %dot_general3A_136, %reduce_sum3A_139 [1] : vector<512x50xf32> to vector<512xf32>
    %div3A_141 = arith.constant 5.000000e+01 : f32
    %div3A_142 = vector.broadcast %div3A_141 : f32 to vector<512xf32>
    %div3A_143 = arith.divf %reduce_sum3A_140, %div3A_142 : vector<512xf32>
    %sub3A_144 = arith.subf %reduce_max3A_138, %div3A_143 : vector<512xf32>
    %slice3A_145 = vector.extract_strided_slice %add3A_9 {offsets = [0, 640], sizes = [512, 64], strides = [1, 1]} : vector<512x768xf32> to vector<512x64xf32>
    %get3A_146 = arith.constant 640 : index
    %get3A_147 = arith.constant 0 : index
    %get3A_148 = vector.load %arg4[%get3A_146, %get3A_147] : memref<768x50xf32, #tpu.memory_space<vmem>>, vector<64x50xf32>
    %dot_general3A_149 = arith.constant dense<0.000000e+00> : vector<512x50xf32>
    %dot_general3A_150 = tpu.matmul %slice3A_145, %get3A_148, %dot_general3A_149 {dimension_numbers = #tpu.dot_dimension_numbers<[1], [0], [0], [1], [0, 0, 1, 1], [], []>, transpose_lhs_hint = false} : vector<512x64xf32>, vector<64x50xf32>, vector<512x50xf32> -> vector<512x50xf32>
    %reduce_max3A_151 = arith.constant dense<0xFF800000> : vector<512xf32>
    %reduce_max3A_152 = vector.multi_reduction <maximumf>, %dot_general3A_150, %reduce_max3A_151 [1] : vector<512x50xf32> to vector<512xf32>
    %reduce_sum3A_153 = arith.constant dense<0.000000e+00> : vector<512xf32>
    %reduce_sum3A_154 = vector.multi_reduction <add>, %dot_general3A_150, %reduce_sum3A_153 [1] : vector<512x50xf32> to vector<512xf32>
    %div3A_155 = arith.constant 5.000000e+01 : f32
    %div3A_156 = vector.broadcast %div3A_155 : f32 to vector<512xf32>
    %div3A_157 = arith.divf %reduce_sum3A_154, %div3A_156 : vector<512xf32>
    %sub3A_158 = arith.subf %reduce_max3A_152, %div3A_157 : vector<512xf32>
    %slice3A_159 = vector.extract_strided_slice %add3A_9 {offsets = [0, 704], sizes = [512, 64], strides = [1, 1]} : vector<512x768xf32> to vector<512x64xf32>
    %get3A_160 = arith.constant 704 : index
    %get3A_161 = arith.constant 0 : index
    %get3A_162 = vector.load %arg4[%get3A_160, %get3A_161] : memref<768x50xf32, #tpu.memory_space<vmem>>, vector<64x50xf32>
    %dot_general3A_163 = arith.constant dense<0.000000e+00> : vector<512x50xf32>
    %dot_general3A_164 = tpu.matmul %slice3A_159, %get3A_162, %dot_general3A_163 {dimension_numbers = #tpu.dot_dimension_numbers<[1], [0], [0], [1], [0, 0, 1, 1], [], []>, transpose_lhs_hint = false} : vector<512x64xf32>, vector<64x50xf32>, vector<512x50xf32> -> vector<512x50xf32>
    %reduce_max3A_165 = arith.constant dense<0xFF800000> : vector<512xf32>
    %reduce_max3A_166 = vector.multi_reduction <maximumf>, %dot_general3A_164, %reduce_max3A_165 [1] : vector<512x50xf32> to vector<512xf32>
    %reduce_sum3A_167 = arith.constant dense<0.000000e+00> : vector<512xf32>
    %reduce_sum3A_168 = vector.multi_reduction <add>, %dot_general3A_164, %reduce_sum3A_167 [1] : vector<512x50xf32> to vector<512xf32>
    %div3A_169 = arith.constant 5.000000e+01 : f32
    %div3A_170 = vector.broadcast %div3A_169 : f32 to vector<512xf32>
    %div3A_171 = arith.divf %reduce_sum3A_168, %div3A_170 : vector<512xf32>
    %sub3A_172 = arith.subf %reduce_max3A_166, %div3A_171 : vector<512xf32>
    %stack3A = vector.shape_cast %sub3A : vector<512xf32> to vector<512x1xf32>
    %stack3A_173 = vector.shape_cast %sub3A_32 : vector<512xf32> to vector<512x1xf32>
    %stack3A_174 = vector.shape_cast %sub3A_46 : vector<512xf32> to vector<512x1xf32>
    %stack3A_175 = vector.shape_cast %sub3A_60 : vector<512xf32> to vector<512x1xf32>
    %stack3A_176 = vector.shape_cast %sub3A_74 : vector<512xf32> to vector<512x1xf32>
    %stack3A_177 = vector.shape_cast %sub3A_88 : vector<512xf32> to vector<512x1xf32>
    %stack3A_178 = vector.shape_cast %sub3A_102 : vector<512xf32> to vector<512x1xf32>
    %stack3A_179 = vector.shape_cast %sub3A_116 : vector<512xf32> to vector<512x1xf32>
    %stack3A_180 = vector.shape_cast %sub3A_130 : vector<512xf32> to vector<512x1xf32>
    %stack3A_181 = vector.shape_cast %sub3A_144 : vector<512xf32> to vector<512x1xf32>
    %stack3A_182 = vector.shape_cast %sub3A_158 : vector<512xf32> to vector<512x1xf32>
    %stack3A_183 = vector.shape_cast %sub3A_172 : vector<512xf32> to vector<512x1xf32>
    %stack3A_184 = tpu.concatenate %stack3A, %stack3A_173, %stack3A_174, %stack3A_175, %stack3A_176, %stack3A_177, %stack3A_178, %stack3A_179, %stack3A_180, %stack3A_181, %stack3A_182, %stack3A_183 in 1 : vector<512x1xf32>, vector<512x1xf32>, vector<512x1xf32>, vector<512x1xf32>, vector<512x1xf32>, vector<512x1xf32>, vector<512x1xf32>, vector<512x1xf32>, vector<512x1xf32>, vector<512x1xf32>, vector<512x1xf32>, vector<512x1xf32> -> vector<512x12xf32>
    %transpose3A = tpu.transpose %stack3A_184, [1, 0] : vector<512x12xf32> -> vector<12x512xf32>
    %swap3A = arith.constant 0 : index
    %swap3A_185 = arith.constant 0 : index
    %swap3A_186 = vector.load %arg5[%swap3A, %swap3A_185] : memref<12x512xf32, #tpu.memory_space<vmem>>, vector<12x512xf32>
    tpu.vector_store %arg5[%swap3A, %swap3A_185], %transpose3A {strides = array<i32>} : memref<12x512xf32, #tpu.memory_space<vmem>>, vector<12x512xf32>,
    return
  }
  func.func @transform_0(%arg0: i32) -> (i32, i32) {
    %c0_i32 = arith.constant 0 : i32
    %c0_i32_0 = arith.constant 0 : i32
    return %arg0, %c0_i32 : i32, i32
  }
  func.func @transform_1(%arg0: i32) -> (i32, i32) {
    %c0_i32 = arith.constant 0 : i32
    %c0_i32_0 = arith.constant 0 : i32
    %c0_i32_1 = arith.constant 0 : i32
    return %c0_i32, %c0_i32_0 : i32, i32
  }
  func.func @transform_2(%arg0: i32) -> (i32, i32) {
    %c0_i32 = arith.constant 0 : i32
    %c0_i32_0 = arith.constant 0 : i32
    %c0_i32_1 = arith.constant 0 : i32
    return %c0_i32, %c0_i32_0 : i32, i32
  }
  func.func @transform_3(%arg0: i32) -> (i32, i32) {
    %c0_i32 = arith.constant 0 : i32
    %c0_i32_0 = arith.constant 0 : i32
    %c0_i32_1 = arith.constant 0 : i32
    return %c0_i32, %c0_i32_0 : i32, i32
  }
  func.func @transform_4(%arg0: i32) -> (i32, i32) {
    %c0_i32 = arith.constant 0 : i32
    %c0_i32_0 = arith.constant 0 : i32
    return %c0_i32, %arg0 : i32, i32
  }
}

module attributes {stable_mosaic.version = 14 : i64} {
  func.func @_ksample_kernel(%arg0: memref<56x768xf32, #tpu.memory_space<vmem>>, %arg1: memref<768x768xf32, #tpu.memory_space<vmem>>, %arg2: memref<1x768xf32, #tpu.memory_space<vmem>>, %arg3: memref<56x768xf32, #tpu.memory_space<vmem>>) attributes {dimension_semantics = [], scalar_prefetch = 0 : i64, scratch_operands = 0 : i64, tpu.core_type = #tpu.core_type<tc>} {
    %get3A = arith.constant 0 : index
    %get3A_0 = arith.constant 0 : index
    %get3A_1 = vector.load %arg0[%get3A, %get3A_0] : memref<56x768xf32, #tpu.memory_space<vmem>>, vector<56x768xf32>
    %get3A_2 = arith.constant 0 : index
    %get3A_3 = arith.constant 0 : index
    %get3A_4 = vector.load %arg1[%get3A_2, %get3A_3] : memref<768x768xf32, #tpu.memory_space<vmem>>, vector<768x768xf32>
    %dot_general3A = arith.constant dense<0.000000e+00> : vector<56x768xf32>
    %dot_general3A_5 = tpu.matmul %get3A_1, %get3A_4, %dot_general3A {dimension_numbers = #tpu.dot_dimension_numbers<[1], [0], [0], [1], [0, 0, 1, 1], [], []>, transpose_lhs_hint = false} : vector<56x768xf32>, vector<768x768xf32>, vector<56x768xf32> -> vector<56x768xf32>
    %get3A_6 = arith.constant 0 : index
    %get3A_7 = arith.constant 0 : index
    %get3A_8 = vector.load %arg2[%get3A_6, %get3A_7] : memref<1x768xf32, #tpu.memory_space<vmem>>, vector<1x768xf32>
    %add3A = vector.broadcast %get3A_8 : vector<1x768xf32> to vector<56x768xf32>
    %add3A_9 = arith.addf %dot_general3A_5, %add3A : vector<56x768xf32>
    %swap3A = arith.constant 0 : index
    %swap3A_10 = arith.constant 0 : index
    %swap3A_11 = vector.load %arg3[%swap3A, %swap3A_10] : memref<56x768xf32, #tpu.memory_space<vmem>>, vector<56x768xf32>
    tpu.vector_store %arg3[%swap3A, %swap3A_10], %add3A_9 {strides = array<i32>} : memref<56x768xf32, #tpu.memory_space<vmem>>, vector<56x768xf32>,
    return
  }
}

module attributes {stable_mosaic.version = 14 : i64} {
  func.func @_e_kernel(%arg0: memref<768x768xf32, #tpu.memory_space<vmem>>, %arg1: memref<768x768xf32, #tpu.memory_space<vmem>>, %arg2: memref<1x768xf32, #tpu.memory_space<vmem>>, %arg3: memref<768x768xf32, #tpu.memory_space<vmem>>, %arg4: memref<1x768xf32, #tpu.memory_space<vmem>>, %arg5: memref<768x768xf32, #tpu.memory_space<vmem>>, %arg6: memref<768x1xf32, #tpu.memory_space<vmem>>) attributes {dimension_semantics = [], scalar_prefetch = 0 : i64, scratch_operands = 0 : i64, tpu.core_type = #tpu.core_type<tc>} {
    %get3A = arith.constant 0 : index
    %get3A_0 = arith.constant 0 : index
    %get3A_1 = vector.load %arg0[%get3A, %get3A_0] : memref<768x768xf32, #tpu.memory_space<vmem>>, vector<768x768xf32>
    %get3A_2 = arith.constant 0 : index
    %get3A_3 = arith.constant 0 : index
    %get3A_4 = vector.load %arg1[%get3A_2, %get3A_3] : memref<768x768xf32, #tpu.memory_space<vmem>>, vector<768x768xf32>
    %get3A_5 = arith.constant 0 : index
    %get3A_6 = arith.constant 0 : index
    %get3A_7 = vector.load %arg3[%get3A_5, %get3A_6] : memref<768x768xf32, #tpu.memory_space<vmem>>, vector<768x768xf32>
    %slice3A = vector.extract_strided_slice %get3A_1 {offsets = [0, 0], sizes = [64, 768], strides = [1, 1]} : vector<768x768xf32> to vector<64x768xf32>
    %slice3A_8 = vector.extract_strided_slice %get3A_4 {offsets = [0, 0], sizes = [768, 64], strides = [1, 1]} : vector<768x768xf32> to vector<768x64xf32>
    %dot_general3A = arith.constant dense<0.000000e+00> : vector<64x64xf32>
    %dot_general3A_9 = tpu.matmul %slice3A, %slice3A_8, %dot_general3A {dimension_numbers = #tpu.dot_dimension_numbers<[1], [0], [0], [1], [0, 0, 1, 1], [], []>, transpose_lhs_hint = false} : vector<64x768xf32>, vector<768x64xf32>, vector<64x64xf32> -> vector<64x64xf32>
    %get3A_10 = arith.constant 0 : index
    %get3A_11 = arith.constant 0 : index
    %get3A_12 = vector.load %arg2[%get3A_10, %get3A_11] : memref<1x768xf32, #tpu.memory_space<vmem>>, vector<1x64xf32>
    %add3A = vector.broadcast %get3A_12 : vector<1x64xf32> to vector<64x64xf32>
    %add3A_13 = arith.addf %dot_general3A_9, %add3A : vector<64x64xf32>
    %slice3A_14 = vector.extract_strided_slice %get3A_7 {offsets = [0, 0], sizes = [768, 64], strides = [1, 1]} : vector<768x768xf32> to vector<768x64xf32>
    %transpose3A = tpu.transpose %slice3A_14, [1, 0] : vector<768x64xf32> -> vector<64x768xf32>
    %dot_general3A_15 = arith.constant dense<0.000000e+00> : vector<64x768xf32>
    %dot_general3A_16 = tpu.matmul %add3A_13, %transpose3A, %dot_general3A_15 {dimension_numbers = #tpu.dot_dimension_numbers<[1], [0], [0], [1], [0, 0, 1, 1], [], []>, transpose_lhs_hint = false} : vector<64x64xf32>, vector<64x768xf32>, vector<64x768xf32> -> vector<64x768xf32>
    %swap3A = arith.constant 0 : index
    %swap3A_17 = arith.constant 0 : index
    %swap3A_18 = vector.load %arg5[%swap3A, %swap3A_17] : memref<768x768xf32, #tpu.memory_space<vmem>>, vector<64x768xf32>
    tpu.vector_store %arg5[%swap3A, %swap3A_17], %dot_general3A_16 {strides = array<i32>} : memref<768x768xf32, #tpu.memory_space<vmem>>, vector<64x768xf32>,
    %get3A_19 = arith.constant 0 : index
    %get3A_20 = arith.constant 0 : index
    %get3A_21 = vector.load %arg4[%get3A_19, %get3A_20] : memref<1x768xf32, #tpu.memory_space<vmem>>, vector<1x64xf32>
    %transpose3A_22 = tpu.transpose %get3A_21, [1, 0] : vector<1x64xf32> -> vector<64x1xf32>
    %dot_general3A_23 = arith.constant dense<0.000000e+00> : vector<64x1xf32>
    %dot_general3A_24 = tpu.matmul %add3A_13, %transpose3A_22, %dot_general3A_23 {dimension_numbers = #tpu.dot_dimension_numbers<[1], [0], [0], [1], [0, 0, 1, 1], [], []>, transpose_lhs_hint = false} : vector<64x64xf32>, vector<64x1xf32>, vector<64x1xf32> -> vector<64x1xf32>
    %swap3A_25 = arith.constant 0 : index
    %swap3A_26 = arith.constant 0 : index
    %swap3A_27 = vector.load %arg6[%swap3A_25, %swap3A_26] : memref<768x1xf32, #tpu.memory_space<vmem>>, vector<64x1xf32>
    tpu.vector_store %arg6[%swap3A_25, %swap3A_26], %dot_general3A_24 {strides = array<i32>} : memref<768x1xf32, #tpu.memory_space<vmem>>, vector<64x1xf32>,
    %slice3A_28 = vector.extract_strided_slice %get3A_1 {offsets = [64, 0], sizes = [64, 768], strides = [1, 1]} : vector<768x768xf32> to vector<64x768xf32>
    %slice3A_29 = vector.extract_strided_slice %get3A_4 {offsets = [0, 64], sizes = [768, 64], strides = [1, 1]} : vector<768x768xf32> to vector<768x64xf32>
    %dot_general3A_30 = arith.constant dense<0.000000e+00> : vector<64x64xf32>
    %dot_general3A_31 = tpu.matmul %slice3A_28, %slice3A_29, %dot_general3A_30 {dimension_numbers = #tpu.dot_dimension_numbers<[1], [0], [0], [1], [0, 0, 1, 1], [], []>, transpose_lhs_hint = false} : vector<64x768xf32>, vector<768x64xf32>, vector<64x64xf32> -> vector<64x64xf32>
    %get3A_32 = arith.constant 0 : index
    %get3A_33 = arith.constant 64 : index
    %get3A_34 = vector.load %arg2[%get3A_32, %get3A_33] : memref<1x768xf32, #tpu.memory_space<vmem>>, vector<1x64xf32>
    %add3A_35 = vector.broadcast %get3A_34 : vector<1x64xf32> to vector<64x64xf32>
    %add3A_36 = arith.addf %dot_general3A_31, %add3A_35 : vector<64x64xf32>
    %slice3A_37 = vector.extract_strided_slice %get3A_7 {offsets = [0, 64], sizes = [768, 64], strides = [1, 1]} : vector<768x768xf32> to vector<768x64xf32>
    %transpose3A_38 = tpu.transpose %slice3A_37, [1, 0] : vector<768x64xf32> -> vector<64x768xf32>
    %dot_general3A_39 = arith.constant dense<0.000000e+00> : vector<64x768xf32>
    %dot_general3A_40 = tpu.matmul %add3A_36, %transpose3A_38, %dot_general3A_39 {dimension_numbers = #tpu.dot_dimension_numbers<[1], [0], [0], [1], [0, 0, 1, 1], [], []>, transpose_lhs_hint = false} : vector<64x64xf32>, vector<64x768xf32>, vector<64x768xf32> -> vector<64x768xf32>
    %swap3A_41 = arith.constant 64 : index
    %swap3A_42 = arith.constant 0 : index
    %swap3A_43 = vector.load %arg5[%swap3A_41, %swap3A_42] : memref<768x768xf32, #tpu.memory_space<vmem>>, vector<64x768xf32>
    tpu.vector_store %arg5[%swap3A_41, %swap3A_42], %dot_general3A_40 {strides = array<i32>} : memref<768x768xf32, #tpu.memory_space<vmem>>, vector<64x768xf32>,
    %get3A_44 = arith.constant 0 : index
    %get3A_45 = arith.constant 64 : index
    %get3A_46 = vector.load %arg4[%get3A_44, %get3A_45] : memref<1x768xf32, #tpu.memory_space<vmem>>, vector<1x64xf32>
    %transpose3A_47 = tpu.transpose %get3A_46, [1, 0] : vector<1x64xf32> -> vector<64x1xf32>
    %dot_general3A_48 = arith.constant dense<0.000000e+00> : vector<64x1xf32>
    %dot_general3A_49 = tpu.matmul %add3A_36, %transpose3A_47, %dot_general3A_48 {dimension_numbers = #tpu.dot_dimension_numbers<[1], [0], [0], [1], [0, 0, 1, 1], [], []>, transpose_lhs_hint = false} : vector<64x64xf32>, vector<64x1xf32>, vector<64x1xf32> -> vector<64x1xf32>
    %swap3A_50 = arith.constant 64 : index
    %swap3A_51 = arith.constant 0 : index
    %swap3A_52 = vector.load %arg6[%swap3A_50, %swap3A_51] : memref<768x1xf32, #tpu.memory_space<vmem>>, vector<64x1xf32>
    tpu.vector_store %arg6[%swap3A_50, %swap3A_51], %dot_general3A_49 {strides = array<i32>} : memref<768x1xf32, #tpu.memory_space<vmem>>, vector<64x1xf32>,
    %slice3A_53 = vector.extract_strided_slice %get3A_1 {offsets = [128, 0], sizes = [64, 768], strides = [1, 1]} : vector<768x768xf32> to vector<64x768xf32>
    %slice3A_54 = vector.extract_strided_slice %get3A_4 {offsets = [0, 128], sizes = [768, 64], strides = [1, 1]} : vector<768x768xf32> to vector<768x64xf32>
    %dot_general3A_55 = arith.constant dense<0.000000e+00> : vector<64x64xf32>
    %dot_general3A_56 = tpu.matmul %slice3A_53, %slice3A_54, %dot_general3A_55 {dimension_numbers = #tpu.dot_dimension_numbers<[1], [0], [0], [1], [0, 0, 1, 1], [], []>, transpose_lhs_hint = false} : vector<64x768xf32>, vector<768x64xf32>, vector<64x64xf32> -> vector<64x64xf32>
    %get3A_57 = arith.constant 0 : index
    %get3A_58 = arith.constant 128 : index
    %get3A_59 = vector.load %arg2[%get3A_57, %get3A_58] : memref<1x768xf32, #tpu.memory_space<vmem>>, vector<1x64xf32>
    %add3A_60 = vector.broadcast %get3A_59 : vector<1x64xf32> to vector<64x64xf32>
    %add3A_61 = arith.addf %dot_general3A_56, %add3A_60 : vector<64x64xf32>
    %slice3A_62 = vector.extract_strided_slice %get3A_7 {offsets = [0, 128], sizes = [768, 64], strides = [1, 1]} : vector<768x768xf32> to vector<768x64xf32>
    %transpose3A_63 = tpu.transpose %slice3A_62, [1, 0] : vector<768x64xf32> -> vector<64x768xf32>
    %dot_general3A_64 = arith.constant dense<0.000000e+00> : vector<64x768xf32>
    %dot_general3A_65 = tpu.matmul %add3A_61, %transpose3A_63, %dot_general3A_64 {dimension_numbers = #tpu.dot_dimension_numbers<[1], [0], [0], [1], [0, 0, 1, 1], [], []>, transpose_lhs_hint = false} : vector<64x64xf32>, vector<64x768xf32>, vector<64x768xf32> -> vector<64x768xf32>
    %swap3A_66 = arith.constant 128 : index
    %swap3A_67 = arith.constant 0 : index
    %swap3A_68 = vector.load %arg5[%swap3A_66, %swap3A_67] : memref<768x768xf32, #tpu.memory_space<vmem>>, vector<64x768xf32>
    tpu.vector_store %arg5[%swap3A_66, %swap3A_67], %dot_general3A_65 {strides = array<i32>} : memref<768x768xf32, #tpu.memory_space<vmem>>, vector<64x768xf32>,
    %get3A_69 = arith.constant 0 : index
    %get3A_70 = arith.constant 128 : index
    %get3A_71 = vector.load %arg4[%get3A_69, %get3A_70] : memref<1x768xf32, #tpu.memory_space<vmem>>, vector<1x64xf32>
    %transpose3A_72 = tpu.transpose %get3A_71, [1, 0] : vector<1x64xf32> -> vector<64x1xf32>
    %dot_general3A_73 = arith.constant dense<0.000000e+00> : vector<64x1xf32>
    %dot_general3A_74 = tpu.matmul %add3A_61, %transpose3A_72, %dot_general3A_73 {dimension_numbers = #tpu.dot_dimension_numbers<[1], [0], [0], [1], [0, 0, 1, 1], [], []>, transpose_lhs_hint = false} : vector<64x64xf32>, vector<64x1xf32>, vector<64x1xf32> -> vector<64x1xf32>
    %swap3A_75 = arith.constant 128 : index
    %swap3A_76 = arith.constant 0 : index
    %swap3A_77 = vector.load %arg6[%swap3A_75, %swap3A_76] : memref<768x1xf32, #tpu.memory_space<vmem>>, vector<64x1xf32>
    tpu.vector_store %arg6[%swap3A_75, %swap3A_76], %dot_general3A_74 {strides = array<i32>} : memref<768x1xf32, #tpu.memory_space<vmem>>, vector<64x1xf32>,
    %slice3A_78 = vector.extract_strided_slice %get3A_1 {offsets = [192, 0], sizes = [64, 768], strides = [1, 1]} : vector<768x768xf32> to vector<64x768xf32>
    %slice3A_79 = vector.extract_strided_slice %get3A_4 {offsets = [0, 192], sizes = [768, 64], strides = [1, 1]} : vector<768x768xf32> to vector<768x64xf32>
    %dot_general3A_80 = arith.constant dense<0.000000e+00> : vector<64x64xf32>
    %dot_general3A_81 = tpu.matmul %slice3A_78, %slice3A_79, %dot_general3A_80 {dimension_numbers = #tpu.dot_dimension_numbers<[1], [0], [0], [1], [0, 0, 1, 1], [], []>, transpose_lhs_hint = false} : vector<64x768xf32>, vector<768x64xf32>, vector<64x64xf32> -> vector<64x64xf32>
    %get3A_82 = arith.constant 0 : index
    %get3A_83 = arith.constant 192 : index
    %get3A_84 = vector.load %arg2[%get3A_82, %get3A_83] : memref<1x768xf32, #tpu.memory_space<vmem>>, vector<1x64xf32>
    %add3A_85 = vector.broadcast %get3A_84 : vector<1x64xf32> to vector<64x64xf32>
    %add3A_86 = arith.addf %dot_general3A_81, %add3A_85 : vector<64x64xf32>
    %slice3A_87 = vector.extract_strided_slice %get3A_7 {offsets = [0, 192], sizes = [768, 64], strides = [1, 1]} : vector<768x768xf32> to vector<768x64xf32>
    %transpose3A_88 = tpu.transpose %slice3A_87, [1, 0] : vector<768x64xf32> -> vector<64x768xf32>
    %dot_general3A_89 = arith.constant dense<0.000000e+00> : vector<64x768xf32>
    %dot_general3A_90 = tpu.matmul %add3A_86, %transpose3A_88, %dot_general3A_89 {dimension_numbers = #tpu.dot_dimension_numbers<[1], [0], [0], [1], [0, 0, 1, 1], [], []>, transpose_lhs_hint = false} : vector<64x64xf32>, vector<64x768xf32>, vector<64x768xf32> -> vector<64x768xf32>
    %swap3A_91 = arith.constant 192 : index
    %swap3A_92 = arith.constant 0 : index
    %swap3A_93 = vector.load %arg5[%swap3A_91, %swap3A_92] : memref<768x768xf32, #tpu.memory_space<vmem>>, vector<64x768xf32>
    tpu.vector_store %arg5[%swap3A_91, %swap3A_92], %dot_general3A_90 {strides = array<i32>} : memref<768x768xf32, #tpu.memory_space<vmem>>, vector<64x768xf32>,
    %get3A_94 = arith.constant 0 : index
    %get3A_95 = arith.constant 192 : index
    %get3A_96 = vector.load %arg4[%get3A_94, %get3A_95] : memref<1x768xf32, #tpu.memory_space<vmem>>, vector<1x64xf32>
    %transpose3A_97 = tpu.transpose %get3A_96, [1, 0] : vector<1x64xf32> -> vector<64x1xf32>
    %dot_general3A_98 = arith.constant dense<0.000000e+00> : vector<64x1xf32>
    %dot_general3A_99 = tpu.matmul %add3A_86, %transpose3A_97, %dot_general3A_98 {dimension_numbers = #tpu.dot_dimension_numbers<[1], [0], [0], [1], [0, 0, 1, 1], [], []>, transpose_lhs_hint = false} : vector<64x64xf32>, vector<64x1xf32>, vector<64x1xf32> -> vector<64x1xf32>
    %swap3A_100 = arith.constant 192 : index
    %swap3A_101 = arith.constant 0 : index
    %swap3A_102 = vector.load %arg6[%swap3A_100, %swap3A_101] : memref<768x1xf32, #tpu.memory_space<vmem>>, vector<64x1xf32>
    tpu.vector_store %arg6[%swap3A_100, %swap3A_101], %dot_general3A_99 {strides = array<i32>} : memref<768x1xf32, #tpu.memory_space<vmem>>, vector<64x1xf32>,
    %slice3A_103 = vector.extract_strided_slice %get3A_1 {offsets = [256, 0], sizes = [64, 768], strides = [1, 1]} : vector<768x768xf32> to vector<64x768xf32>
    %slice3A_104 = vector.extract_strided_slice %get3A_4 {offsets = [0, 256], sizes = [768, 64], strides = [1, 1]} : vector<768x768xf32> to vector<768x64xf32>
    %dot_general3A_105 = arith.constant dense<0.000000e+00> : vector<64x64xf32>
    %dot_general3A_106 = tpu.matmul %slice3A_103, %slice3A_104, %dot_general3A_105 {dimension_numbers = #tpu.dot_dimension_numbers<[1], [0], [0], [1], [0, 0, 1, 1], [], []>, transpose_lhs_hint = false} : vector<64x768xf32>, vector<768x64xf32>, vector<64x64xf32> -> vector<64x64xf32>
    %get3A_107 = arith.constant 0 : index
    %get3A_108 = arith.constant 256 : index
    %get3A_109 = vector.load %arg2[%get3A_107, %get3A_108] : memref<1x768xf32, #tpu.memory_space<vmem>>, vector<1x64xf32>
    %add3A_110 = vector.broadcast %get3A_109 : vector<1x64xf32> to vector<64x64xf32>
    %add3A_111 = arith.addf %dot_general3A_106, %add3A_110 : vector<64x64xf32>
    %slice3A_112 = vector.extract_strided_slice %get3A_7 {offsets = [0, 256], sizes = [768, 64], strides = [1, 1]} : vector<768x768xf32> to vector<768x64xf32>
    %transpose3A_113 = tpu.transpose %slice3A_112, [1, 0] : vector<768x64xf32> -> vector<64x768xf32>
    %dot_general3A_114 = arith.constant dense<0.000000e+00> : vector<64x768xf32>
    %dot_general3A_115 = tpu.matmul %add3A_111, %transpose3A_113, %dot_general3A_114 {dimension_numbers = #tpu.dot_dimension_numbers<[1], [0], [0], [1], [0, 0, 1, 1], [], []>, transpose_lhs_hint = false} : vector<64x64xf32>, vector<64x768xf32>, vector<64x768xf32> -> vector<64x768xf32>
    %swap3A_116 = arith.constant 256 : index
    %swap3A_117 = arith.constant 0 : index
    %swap3A_118 = vector.load %arg5[%swap3A_116, %swap3A_117] : memref<768x768xf32, #tpu.memory_space<vmem>>, vector<64x768xf32>
    tpu.vector_store %arg5[%swap3A_116, %swap3A_117], %dot_general3A_115 {strides = array<i32>} : memref<768x768xf32, #tpu.memory_space<vmem>>, vector<64x768xf32>,
    %get3A_119 = arith.constant 0 : index
    %get3A_120 = arith.constant 256 : index
    %get3A_121 = vector.load %arg4[%get3A_119, %get3A_120] : memref<1x768xf32, #tpu.memory_space<vmem>>, vector<1x64xf32>
    %transpose3A_122 = tpu.transpose %get3A_121, [1, 0] : vector<1x64xf32> -> vector<64x1xf32>
    %dot_general3A_123 = arith.constant dense<0.000000e+00> : vector<64x1xf32>
    %dot_general3A_124 = tpu.matmul %add3A_111, %transpose3A_122, %dot_general3A_123 {dimension_numbers = #tpu.dot_dimension_numbers<[1], [0], [0], [1], [0, 0, 1, 1], [], []>, transpose_lhs_hint = false} : vector<64x64xf32>, vector<64x1xf32>, vector<64x1xf32> -> vector<64x1xf32>
    %swap3A_125 = arith.constant 256 : index
    %swap3A_126 = arith.constant 0 : index
    %swap3A_127 = vector.load %arg6[%swap3A_125, %swap3A_126] : memref<768x1xf32, #tpu.memory_space<vmem>>, vector<64x1xf32>
    tpu.vector_store %arg6[%swap3A_125, %swap3A_126], %dot_general3A_124 {strides = array<i32>} : memref<768x1xf32, #tpu.memory_space<vmem>>, vector<64x1xf32>,
    %slice3A_128 = vector.extract_strided_slice %get3A_1 {offsets = [320, 0], sizes = [64, 768], strides = [1, 1]} : vector<768x768xf32> to vector<64x768xf32>
    %slice3A_129 = vector.extract_strided_slice %get3A_4 {offsets = [0, 320], sizes = [768, 64], strides = [1, 1]} : vector<768x768xf32> to vector<768x64xf32>
    %dot_general3A_130 = arith.constant dense<0.000000e+00> : vector<64x64xf32>
    %dot_general3A_131 = tpu.matmul %slice3A_128, %slice3A_129, %dot_general3A_130 {dimension_numbers = #tpu.dot_dimension_numbers<[1], [0], [0], [1], [0, 0, 1, 1], [], []>, transpose_lhs_hint = false} : vector<64x768xf32>, vector<768x64xf32>, vector<64x64xf32> -> vector<64x64xf32>
    %get3A_132 = arith.constant 0 : index
    %get3A_133 = arith.constant 320 : index
    %get3A_134 = vector.load %arg2[%get3A_132, %get3A_133] : memref<1x768xf32, #tpu.memory_space<vmem>>, vector<1x64xf32>
    %add3A_135 = vector.broadcast %get3A_134 : vector<1x64xf32> to vector<64x64xf32>
    %add3A_136 = arith.addf %dot_general3A_131, %add3A_135 : vector<64x64xf32>
    %slice3A_137 = vector.extract_strided_slice %get3A_7 {offsets = [0, 320], sizes = [768, 64], strides = [1, 1]} : vector<768x768xf32> to vector<768x64xf32>
    %transpose3A_138 = tpu.transpose %slice3A_137, [1, 0] : vector<768x64xf32> -> vector<64x768xf32>
    %dot_general3A_139 = arith.constant dense<0.000000e+00> : vector<64x768xf32>
    %dot_general3A_140 = tpu.matmul %add3A_136, %transpose3A_138, %dot_general3A_139 {dimension_numbers = #tpu.dot_dimension_numbers<[1], [0], [0], [1], [0, 0, 1, 1], [], []>, transpose_lhs_hint = false} : vector<64x64xf32>, vector<64x768xf32>, vector<64x768xf32> -> vector<64x768xf32>
    %swap3A_141 = arith.constant 320 : index
    %swap3A_142 = arith.constant 0 : index
    %swap3A_143 = vector.load %arg5[%swap3A_141, %swap3A_142] : memref<768x768xf32, #tpu.memory_space<vmem>>, vector<64x768xf32>
    tpu.vector_store %arg5[%swap3A_141, %swap3A_142], %dot_general3A_140 {strides = array<i32>} : memref<768x768xf32, #tpu.memory_space<vmem>>, vector<64x768xf32>,
    %get3A_144 = arith.constant 0 : index
    %get3A_145 = arith.constant 320 : index
    %get3A_146 = vector.load %arg4[%get3A_144, %get3A_145] : memref<1x768xf32, #tpu.memory_space<vmem>>, vector<1x64xf32>
    %transpose3A_147 = tpu.transpose %get3A_146, [1, 0] : vector<1x64xf32> -> vector<64x1xf32>
    %dot_general3A_148 = arith.constant dense<0.000000e+00> : vector<64x1xf32>
    %dot_general3A_149 = tpu.matmul %add3A_136, %transpose3A_147, %dot_general3A_148 {dimension_numbers = #tpu.dot_dimension_numbers<[1], [0], [0], [1], [0, 0, 1, 1], [], []>, transpose_lhs_hint = false} : vector<64x64xf32>, vector<64x1xf32>, vector<64x1xf32> -> vector<64x1xf32>
    %swap3A_150 = arith.constant 320 : index
    %swap3A_151 = arith.constant 0 : index
    %swap3A_152 = vector.load %arg6[%swap3A_150, %swap3A_151] : memref<768x1xf32, #tpu.memory_space<vmem>>, vector<64x1xf32>
    tpu.vector_store %arg6[%swap3A_150, %swap3A_151], %dot_general3A_149 {strides = array<i32>} : memref<768x1xf32, #tpu.memory_space<vmem>>, vector<64x1xf32>,
    %slice3A_153 = vector.extract_strided_slice %get3A_1 {offsets = [384, 0], sizes = [64, 768], strides = [1, 1]} : vector<768x768xf32> to vector<64x768xf32>
    %slice3A_154 = vector.extract_strided_slice %get3A_4 {offsets = [0, 384], sizes = [768, 64], strides = [1, 1]} : vector<768x768xf32> to vector<768x64xf32>
    %dot_general3A_155 = arith.constant dense<0.000000e+00> : vector<64x64xf32>
    %dot_general3A_156 = tpu.matmul %slice3A_153, %slice3A_154, %dot_general3A_155 {dimension_numbers = #tpu.dot_dimension_numbers<[1], [0], [0], [1], [0, 0, 1, 1], [], []>, transpose_lhs_hint = false} : vector<64x768xf32>, vector<768x64xf32>, vector<64x64xf32> -> vector<64x64xf32>
    %get3A_157 = arith.constant 0 : index
    %get3A_158 = arith.constant 384 : index
    %get3A_159 = vector.load %arg2[%get3A_157, %get3A_158] : memref<1x768xf32, #tpu.memory_space<vmem>>, vector<1x64xf32>
    %add3A_160 = vector.broadcast %get3A_159 : vector<1x64xf32> to vector<64x64xf32>
    %add3A_161 = arith.addf %dot_general3A_156, %add3A_160 : vector<64x64xf32>
    %slice3A_162 = vector.extract_strided_slice %get3A_7 {offsets = [0, 384], sizes = [768, 64], strides = [1, 1]} : vector<768x768xf32> to vector<768x64xf32>
    %transpose3A_163 = tpu.transpose %slice3A_162, [1, 0] : vector<768x64xf32> -> vector<64x768xf32>
    %dot_general3A_164 = arith.constant dense<0.000000e+00> : vector<64x768xf32>
    %dot_general3A_165 = tpu.matmul %add3A_161, %transpose3A_163, %dot_general3A_164 {dimension_numbers = #tpu.dot_dimension_numbers<[1], [0], [0], [1], [0, 0, 1, 1], [], []>, transpose_lhs_hint = false} : vector<64x64xf32>, vector<64x768xf32>, vector<64x768xf32> -> vector<64x768xf32>
    %swap3A_166 = arith.constant 384 : index
    %swap3A_167 = arith.constant 0 : index
    %swap3A_168 = vector.load %arg5[%swap3A_166, %swap3A_167] : memref<768x768xf32, #tpu.memory_space<vmem>>, vector<64x768xf32>
    tpu.vector_store %arg5[%swap3A_166, %swap3A_167], %dot_general3A_165 {strides = array<i32>} : memref<768x768xf32, #tpu.memory_space<vmem>>, vector<64x768xf32>,
    %get3A_169 = arith.constant 0 : index
    %get3A_170 = arith.constant 384 : index
    %get3A_171 = vector.load %arg4[%get3A_169, %get3A_170] : memref<1x768xf32, #tpu.memory_space<vmem>>, vector<1x64xf32>
    %transpose3A_172 = tpu.transpose %get3A_171, [1, 0] : vector<1x64xf32> -> vector<64x1xf32>
    %dot_general3A_173 = arith.constant dense<0.000000e+00> : vector<64x1xf32>
    %dot_general3A_174 = tpu.matmul %add3A_161, %transpose3A_172, %dot_general3A_173 {dimension_numbers = #tpu.dot_dimension_numbers<[1], [0], [0], [1], [0, 0, 1, 1], [], []>, transpose_lhs_hint = false} : vector<64x64xf32>, vector<64x1xf32>, vector<64x1xf32> -> vector<64x1xf32>
    %swap3A_175 = arith.constant 384 : index
    %swap3A_176 = arith.constant 0 : index
    %swap3A_177 = vector.load %arg6[%swap3A_175, %swap3A_176] : memref<768x1xf32, #tpu.memory_space<vmem>>, vector<64x1xf32>
    tpu.vector_store %arg6[%swap3A_175, %swap3A_176], %dot_general3A_174 {strides = array<i32>} : memref<768x1xf32, #tpu.memory_space<vmem>>, vector<64x1xf32>,
    %slice3A_178 = vector.extract_strided_slice %get3A_1 {offsets = [448, 0], sizes = [64, 768], strides = [1, 1]} : vector<768x768xf32> to vector<64x768xf32>
    %slice3A_179 = vector.extract_strided_slice %get3A_4 {offsets = [0, 448], sizes = [768, 64], strides = [1, 1]} : vector<768x768xf32> to vector<768x64xf32>
    %dot_general3A_180 = arith.constant dense<0.000000e+00> : vector<64x64xf32>
    %dot_general3A_181 = tpu.matmul %slice3A_178, %slice3A_179, %dot_general3A_180 {dimension_numbers = #tpu.dot_dimension_numbers<[1], [0], [0], [1], [0, 0, 1, 1], [], []>, transpose_lhs_hint = false} : vector<64x768xf32>, vector<768x64xf32>, vector<64x64xf32> -> vector<64x64xf32>
    %get3A_182 = arith.constant 0 : index
    %get3A_183 = arith.constant 448 : index
    %get3A_184 = vector.load %arg2[%get3A_182, %get3A_183] : memref<1x768xf32, #tpu.memory_space<vmem>>, vector<1x64xf32>
    %add3A_185 = vector.broadcast %get3A_184 : vector<1x64xf32> to vector<64x64xf32>
    %add3A_186 = arith.addf %dot_general3A_181, %add3A_185 : vector<64x64xf32>
    %slice3A_187 = vector.extract_strided_slice %get3A_7 {offsets = [0, 448], sizes = [768, 64], strides = [1, 1]} : vector<768x768xf32> to vector<768x64xf32>
    %transpose3A_188 = tpu.transpose %slice3A_187, [1, 0] : vector<768x64xf32> -> vector<64x768xf32>
    %dot_general3A_189 = arith.constant dense<0.000000e+00> : vector<64x768xf32>
    %dot_general3A_190 = tpu.matmul %add3A_186, %transpose3A_188, %dot_general3A_189 {dimension_numbers = #tpu.dot_dimension_numbers<[1], [0], [0], [1], [0, 0, 1, 1], [], []>, transpose_lhs_hint = false} : vector<64x64xf32>, vector<64x768xf32>, vector<64x768xf32> -> vector<64x768xf32>
    %swap3A_191 = arith.constant 448 : index
    %swap3A_192 = arith.constant 0 : index
    %swap3A_193 = vector.load %arg5[%swap3A_191, %swap3A_192] : memref<768x768xf32, #tpu.memory_space<vmem>>, vector<64x768xf32>
    tpu.vector_store %arg5[%swap3A_191, %swap3A_192], %dot_general3A_190 {strides = array<i32>} : memref<768x768xf32, #tpu.memory_space<vmem>>, vector<64x768xf32>,
    %get3A_194 = arith.constant 0 : index
    %get3A_195 = arith.constant 448 : index
    %get3A_196 = vector.load %arg4[%get3A_194, %get3A_195] : memref<1x768xf32, #tpu.memory_space<vmem>>, vector<1x64xf32>
    %transpose3A_197 = tpu.transpose %get3A_196, [1, 0] : vector<1x64xf32> -> vector<64x1xf32>
    %dot_general3A_198 = arith.constant dense<0.000000e+00> : vector<64x1xf32>
    %dot_general3A_199 = tpu.matmul %add3A_186, %transpose3A_197, %dot_general3A_198 {dimension_numbers = #tpu.dot_dimension_numbers<[1], [0], [0], [1], [0, 0, 1, 1], [], []>, transpose_lhs_hint = false} : vector<64x64xf32>, vector<64x1xf32>, vector<64x1xf32> -> vector<64x1xf32>
    %swap3A_200 = arith.constant 448 : index
    %swap3A_201 = arith.constant 0 : index
    %swap3A_202 = vector.load %arg6[%swap3A_200, %swap3A_201] : memref<768x1xf32, #tpu.memory_space<vmem>>, vector<64x1xf32>
    tpu.vector_store %arg6[%swap3A_200, %swap3A_201], %dot_general3A_199 {strides = array<i32>} : memref<768x1xf32, #tpu.memory_space<vmem>>, vector<64x1xf32>,
    %slice3A_203 = vector.extract_strided_slice %get3A_1 {offsets = [512, 0], sizes = [64, 768], strides = [1, 1]} : vector<768x768xf32> to vector<64x768xf32>
    %slice3A_204 = vector.extract_strided_slice %get3A_4 {offsets = [0, 512], sizes = [768, 64], strides = [1, 1]} : vector<768x768xf32> to vector<768x64xf32>
    %dot_general3A_205 = arith.constant dense<0.000000e+00> : vector<64x64xf32>
    %dot_general3A_206 = tpu.matmul %slice3A_203, %slice3A_204, %dot_general3A_205 {dimension_numbers = #tpu.dot_dimension_numbers<[1], [0], [0], [1], [0, 0, 1, 1], [], []>, transpose_lhs_hint = false} : vector<64x768xf32>, vector<768x64xf32>, vector<64x64xf32> -> vector<64x64xf32>
    %get3A_207 = arith.constant 0 : index
    %get3A_208 = arith.constant 512 : index
    %get3A_209 = vector.load %arg2[%get3A_207, %get3A_208] : memref<1x768xf32, #tpu.memory_space<vmem>>, vector<1x64xf32>
    %add3A_210 = vector.broadcast %get3A_209 : vector<1x64xf32> to vector<64x64xf32>
    %add3A_211 = arith.addf %dot_general3A_206, %add3A_210 : vector<64x64xf32>
    %slice3A_212 = vector.extract_strided_slice %get3A_7 {offsets = [0, 512], sizes = [768, 64], strides = [1, 1]} : vector<768x768xf32> to vector<768x64xf32>
    %transpose3A_213 = tpu.transpose %slice3A_212, [1, 0] : vector<768x64xf32> -> vector<64x768xf32>
    %dot_general3A_214 = arith.constant dense<0.000000e+00> : vector<64x768xf32>
    %dot_general3A_215 = tpu.matmul %add3A_211, %transpose3A_213, %dot_general3A_214 {dimension_numbers = #tpu.dot_dimension_numbers<[1], [0], [0], [1], [0, 0, 1, 1], [], []>, transpose_lhs_hint = false} : vector<64x64xf32>, vector<64x768xf32>, vector<64x768xf32> -> vector<64x768xf32>
    %swap3A_216 = arith.constant 512 : index
    %swap3A_217 = arith.constant 0 : index
    %swap3A_218 = vector.load %arg5[%swap3A_216, %swap3A_217] : memref<768x768xf32, #tpu.memory_space<vmem>>, vector<64x768xf32>
    tpu.vector_store %arg5[%swap3A_216, %swap3A_217], %dot_general3A_215 {strides = array<i32>} : memref<768x768xf32, #tpu.memory_space<vmem>>, vector<64x768xf32>,
    %get3A_219 = arith.constant 0 : index
    %get3A_220 = arith.constant 512 : index
    %get3A_221 = vector.load %arg4[%get3A_219, %get3A_220] : memref<1x768xf32, #tpu.memory_space<vmem>>, vector<1x64xf32>
    %transpose3A_222 = tpu.transpose %get3A_221, [1, 0] : vector<1x64xf32> -> vector<64x1xf32>
    %dot_general3A_223 = arith.constant dense<0.000000e+00> : vector<64x1xf32>
    %dot_general3A_224 = tpu.matmul %add3A_211, %transpose3A_222, %dot_general3A_223 {dimension_numbers = #tpu.dot_dimension_numbers<[1], [0], [0], [1], [0, 0, 1, 1], [], []>, transpose_lhs_hint = false} : vector<64x64xf32>, vector<64x1xf32>, vector<64x1xf32> -> vector<64x1xf32>
    %swap3A_225 = arith.constant 512 : index
    %swap3A_226 = arith.constant 0 : index
    %swap3A_227 = vector.load %arg6[%swap3A_225, %swap3A_226] : memref<768x1xf32, #tpu.memory_space<vmem>>, vector<64x1xf32>
    tpu.vector_store %arg6[%swap3A_225, %swap3A_226], %dot_general3A_224 {strides = array<i32>} : memref<768x1xf32, #tpu.memory_space<vmem>>, vector<64x1xf32>,
    %slice3A_228 = vector.extract_strided_slice %get3A_1 {offsets = [576, 0], sizes = [64, 768], strides = [1, 1]} : vector<768x768xf32> to vector<64x768xf32>
    %slice3A_229 = vector.extract_strided_slice %get3A_4 {offsets = [0, 576], sizes = [768, 64], strides = [1, 1]} : vector<768x768xf32> to vector<768x64xf32>
    %dot_general3A_230 = arith.constant dense<0.000000e+00> : vector<64x64xf32>
    %dot_general3A_231 = tpu.matmul %slice3A_228, %slice3A_229, %dot_general3A_230 {dimension_numbers = #tpu.dot_dimension_numbers<[1], [0], [0], [1], [0, 0, 1, 1], [], []>, transpose_lhs_hint = false} : vector<64x768xf32>, vector<768x64xf32>, vector<64x64xf32> -> vector<64x64xf32>
    %get3A_232 = arith.constant 0 : index
    %get3A_233 = arith.constant 576 : index
    %get3A_234 = vector.load %arg2[%get3A_232, %get3A_233] : memref<1x768xf32, #tpu.memory_space<vmem>>, vector<1x64xf32>
    %add3A_235 = vector.broadcast %get3A_234 : vector<1x64xf32> to vector<64x64xf32>
    %add3A_236 = arith.addf %dot_general3A_231, %add3A_235 : vector<64x64xf32>
    %slice3A_237 = vector.extract_strided_slice %get3A_7 {offsets = [0, 576], sizes = [768, 64], strides = [1, 1]} : vector<768x768xf32> to vector<768x64xf32>
    %transpose3A_238 = tpu.transpose %slice3A_237, [1, 0] : vector<768x64xf32> -> vector<64x768xf32>
    %dot_general3A_239 = arith.constant dense<0.000000e+00> : vector<64x768xf32>
    %dot_general3A_240 = tpu.matmul %add3A_236, %transpose3A_238, %dot_general3A_239 {dimension_numbers = #tpu.dot_dimension_numbers<[1], [0], [0], [1], [0, 0, 1, 1], [], []>, transpose_lhs_hint = false} : vector<64x64xf32>, vector<64x768xf32>, vector<64x768xf32> -> vector<64x768xf32>
    %swap3A_241 = arith.constant 576 : index
    %swap3A_242 = arith.constant 0 : index
    %swap3A_243 = vector.load %arg5[%swap3A_241, %swap3A_242] : memref<768x768xf32, #tpu.memory_space<vmem>>, vector<64x768xf32>
    tpu.vector_store %arg5[%swap3A_241, %swap3A_242], %dot_general3A_240 {strides = array<i32>} : memref<768x768xf32, #tpu.memory_space<vmem>>, vector<64x768xf32>,
    %get3A_244 = arith.constant 0 : index
    %get3A_245 = arith.constant 576 : index
    %get3A_246 = vector.load %arg4[%get3A_244, %get3A_245] : memref<1x768xf32, #tpu.memory_space<vmem>>, vector<1x64xf32>
    %transpose3A_247 = tpu.transpose %get3A_246, [1, 0] : vector<1x64xf32> -> vector<64x1xf32>
    %dot_general3A_248 = arith.constant dense<0.000000e+00> : vector<64x1xf32>
    %dot_general3A_249 = tpu.matmul %add3A_236, %transpose3A_247, %dot_general3A_248 {dimension_numbers = #tpu.dot_dimension_numbers<[1], [0], [0], [1], [0, 0, 1, 1], [], []>, transpose_lhs_hint = false} : vector<64x64xf32>, vector<64x1xf32>, vector<64x1xf32> -> vector<64x1xf32>
    %swap3A_250 = arith.constant 576 : index
    %swap3A_251 = arith.constant 0 : index
    %swap3A_252 = vector.load %arg6[%swap3A_250, %swap3A_251] : memref<768x1xf32, #tpu.memory_space<vmem>>, vector<64x1xf32>
    tpu.vector_store %arg6[%swap3A_250, %swap3A_251], %dot_general3A_249 {strides = array<i32>} : memref<768x1xf32, #tpu.memory_space<vmem>>, vector<64x1xf32>,
    %slice3A_253 = vector.extract_strided_slice %get3A_1 {offsets = [640, 0], sizes = [64, 768], strides = [1, 1]} : vector<768x768xf32> to vector<64x768xf32>
    %slice3A_254 = vector.extract_strided_slice %get3A_4 {offsets = [0, 640], sizes = [768, 64], strides = [1, 1]} : vector<768x768xf32> to vector<768x64xf32>
    %dot_general3A_255 = arith.constant dense<0.000000e+00> : vector<64x64xf32>
    %dot_general3A_256 = tpu.matmul %slice3A_253, %slice3A_254, %dot_general3A_255 {dimension_numbers = #tpu.dot_dimension_numbers<[1], [0], [0], [1], [0, 0, 1, 1], [], []>, transpose_lhs_hint = false} : vector<64x768xf32>, vector<768x64xf32>, vector<64x64xf32> -> vector<64x64xf32>
    %get3A_257 = arith.constant 0 : index
    %get3A_258 = arith.constant 640 : index
    %get3A_259 = vector.load %arg2[%get3A_257, %get3A_258] : memref<1x768xf32, #tpu.memory_space<vmem>>, vector<1x64xf32>
    %add3A_260 = vector.broadcast %get3A_259 : vector<1x64xf32> to vector<64x64xf32>
    %add3A_261 = arith.addf %dot_general3A_256, %add3A_260 : vector<64x64xf32>
    %slice3A_262 = vector.extract_strided_slice %get3A_7 {offsets = [0, 640], sizes = [768, 64], strides = [1, 1]} : vector<768x768xf32> to vector<768x64xf32>
    %transpose3A_263 = tpu.transpose %slice3A_262, [1, 0] : vector<768x64xf32> -> vector<64x768xf32>
    %dot_general3A_264 = arith.constant dense<0.000000e+00> : vector<64x768xf32>
    %dot_general3A_265 = tpu.matmul %add3A_261, %transpose3A_263, %dot_general3A_264 {dimension_numbers = #tpu.dot_dimension_numbers<[1], [0], [0], [1], [0, 0, 1, 1], [], []>, transpose_lhs_hint = false} : vector<64x64xf32>, vector<64x768xf32>, vector<64x768xf32> -> vector<64x768xf32>
    %swap3A_266 = arith.constant 640 : index
    %swap3A_267 = arith.constant 0 : index
    %swap3A_268 = vector.load %arg5[%swap3A_266, %swap3A_267] : memref<768x768xf32, #tpu.memory_space<vmem>>, vector<64x768xf32>
    tpu.vector_store %arg5[%swap3A_266, %swap3A_267], %dot_general3A_265 {strides = array<i32>} : memref<768x768xf32, #tpu.memory_space<vmem>>, vector<64x768xf32>,
    %get3A_269 = arith.constant 0 : index
    %get3A_270 = arith.constant 640 : index
    %get3A_271 = vector.load %arg4[%get3A_269, %get3A_270] : memref<1x768xf32, #tpu.memory_space<vmem>>, vector<1x64xf32>
    %transpose3A_272 = tpu.transpose %get3A_271, [1, 0] : vector<1x64xf32> -> vector<64x1xf32>
    %dot_general3A_273 = arith.constant dense<0.000000e+00> : vector<64x1xf32>
    %dot_general3A_274 = tpu.matmul %add3A_261, %transpose3A_272, %dot_general3A_273 {dimension_numbers = #tpu.dot_dimension_numbers<[1], [0], [0], [1], [0, 0, 1, 1], [], []>, transpose_lhs_hint = false} : vector<64x64xf32>, vector<64x1xf32>, vector<64x1xf32> -> vector<64x1xf32>
    %swap3A_275 = arith.constant 640 : index
    %swap3A_276 = arith.constant 0 : index
    %swap3A_277 = vector.load %arg6[%swap3A_275, %swap3A_276] : memref<768x1xf32, #tpu.memory_space<vmem>>, vector<64x1xf32>
    tpu.vector_store %arg6[%swap3A_275, %swap3A_276], %dot_general3A_274 {strides = array<i32>} : memref<768x1xf32, #tpu.memory_space<vmem>>, vector<64x1xf32>,
    %slice3A_278 = vector.extract_strided_slice %get3A_1 {offsets = [704, 0], sizes = [64, 768], strides = [1, 1]} : vector<768x768xf32> to vector<64x768xf32>
    %slice3A_279 = vector.extract_strided_slice %get3A_4 {offsets = [0, 704], sizes = [768, 64], strides = [1, 1]} : vector<768x768xf32> to vector<768x64xf32>
    %dot_general3A_280 = arith.constant dense<0.000000e+00> : vector<64x64xf32>
    %dot_general3A_281 = tpu.matmul %slice3A_278, %slice3A_279, %dot_general3A_280 {dimension_numbers = #tpu.dot_dimension_numbers<[1], [0], [0], [1], [0, 0, 1, 1], [], []>, transpose_lhs_hint = false} : vector<64x768xf32>, vector<768x64xf32>, vector<64x64xf32> -> vector<64x64xf32>
    %get3A_282 = arith.constant 0 : index
    %get3A_283 = arith.constant 704 : index
    %get3A_284 = vector.load %arg2[%get3A_282, %get3A_283] : memref<1x768xf32, #tpu.memory_space<vmem>>, vector<1x64xf32>
    %add3A_285 = vector.broadcast %get3A_284 : vector<1x64xf32> to vector<64x64xf32>
    %add3A_286 = arith.addf %dot_general3A_281, %add3A_285 : vector<64x64xf32>
    %slice3A_287 = vector.extract_strided_slice %get3A_7 {offsets = [0, 704], sizes = [768, 64], strides = [1, 1]} : vector<768x768xf32> to vector<768x64xf32>
    %transpose3A_288 = tpu.transpose %slice3A_287, [1, 0] : vector<768x64xf32> -> vector<64x768xf32>
    %dot_general3A_289 = arith.constant dense<0.000000e+00> : vector<64x768xf32>
    %dot_general3A_290 = tpu.matmul %add3A_286, %transpose3A_288, %dot_general3A_289 {dimension_numbers = #tpu.dot_dimension_numbers<[1], [0], [0], [1], [0, 0, 1, 1], [], []>, transpose_lhs_hint = false} : vector<64x64xf32>, vector<64x768xf32>, vector<64x768xf32> -> vector<64x768xf32>
    %swap3A_291 = arith.constant 704 : index
    %swap3A_292 = arith.constant 0 : index
    %swap3A_293 = vector.load %arg5[%swap3A_291, %swap3A_292] : memref<768x768xf32, #tpu.memory_space<vmem>>, vector<64x768xf32>
    tpu.vector_store %arg5[%swap3A_291, %swap3A_292], %dot_general3A_290 {strides = array<i32>} : memref<768x768xf32, #tpu.memory_space<vmem>>, vector<64x768xf32>,
    %get3A_294 = arith.constant 0 : index
    %get3A_295 = arith.constant 704 : index
    %get3A_296 = vector.load %arg4[%get3A_294, %get3A_295] : memref<1x768xf32, #tpu.memory_space<vmem>>, vector<1x64xf32>
    %transpose3A_297 = tpu.transpose %get3A_296, [1, 0] : vector<1x64xf32> -> vector<64x1xf32>
    %dot_general3A_298 = arith.constant dense<0.000000e+00> : vector<64x1xf32>
    %dot_general3A_299 = tpu.matmul %add3A_286, %transpose3A_297, %dot_general3A_298 {dimension_numbers = #tpu.dot_dimension_numbers<[1], [0], [0], [1], [0, 0, 1, 1], [], []>, transpose_lhs_hint = false} : vector<64x64xf32>, vector<64x1xf32>, vector<64x1xf32> -> vector<64x1xf32>
    %swap3A_300 = arith.constant 704 : index
    %swap3A_301 = arith.constant 0 : index
    %swap3A_302 = vector.load %arg6[%swap3A_300, %swap3A_301] : memref<768x1xf32, #tpu.memory_space<vmem>>, vector<64x1xf32>
    tpu.vector_store %arg6[%swap3A_300, %swap3A_301], %dot_general3A_299 {strides = array<i32>} : memref<768x1xf32, #tpu.memory_space<vmem>>, vector<64x1xf32>,
    return
  }
}

module attributes {stable_mosaic.version = 14 : i64} {
  func.func @_f_kernel(%arg0: i32, %arg1: memref<768x768xf32, #tpu.memory_space<vmem>>, %arg2: memref<768x1xf32, #tpu.memory_space<vmem>>, %arg3: memref<512x768xf32, #tpu.memory_space<vmem>>, %arg4: memref<768x512xf32, #tpu.memory_space<vmem>>, %arg5: memref<768x1xf32, #tpu.memory_space<vmem>>, %arg6: memref<768x1xf32, #tpu.memory_space<vmem>>, %arg7: memref<768x1xf32, #tpu.memory_space<vmem>>, %arg8: memref<768x1xf32, #tpu.memory_space<vmem>>) attributes {dimension_semantics = [#tpu.dimension_semantics<arbitrary>], iteration_bounds = array<i64: 16>, scalar_prefetch = 0 : i64, scratch_operands = 2 : i64, tpu.core_type = #tpu.core_type<tc>, window_params = [{pipeline_mode = #tpu.pipeline_mode<synchronous>, transform_indices = @transform_0, window_bounds = array<i64: 768, 768>}, {pipeline_mode = #tpu.pipeline_mode<synchronous>, transform_indices = @transform_1, window_bounds = array<i64: 768, 1>}, {transform_indices = @transform_2, window_bounds = array<i64: 512, 768>}, {transform_indices = @transform_3, window_bounds = array<i64: 768, 512>}, {pipeline_mode = #tpu.pipeline_mode<synchronous>, transform_indices = @transform_4, window_bounds = array<i64: 768, 1>}, {pipeline_mode = #tpu.pipeline_mode<synchronous>, transform_indices = @transform_5, window_bounds = array<i64: 768, 1>}]} {
    %eq3A = arith.constant 0 : i32
    %eq3A_0 = arith.cmpi eq, %arg0, %eq3A : i32
    %convert_element_type3A = arith.extui %eq3A_0 : i1 to i32
    %cond3A = arith.constant 0 : i32
    %cond3A_1 = arith.cmpi ne, %convert_element_type3A, %cond3A : i32
    scf.if %cond3A_1 {
      %broadcast_in_dim3A_41 = arith.constant 0xFF800000 : f32
      %broadcast_in_dim3A_42 = vector.broadcast %broadcast_in_dim3A_41 : f32 to vector<768x1xf32>
      %swap3A_43 = arith.constant 0 : index
      %swap3A_44 = arith.constant 0 : index
      %swap3A_45 = vector.load %arg7[%swap3A_43, %swap3A_44] : memref<768x1xf32, #tpu.memory_space<vmem>>, vector<768x1xf32>
      tpu.vector_store %arg7[%swap3A_43, %swap3A_44], %broadcast_in_dim3A_42 {strides = array<i32>} : memref<768x1xf32, #tpu.memory_space<vmem>>, vector<768x1xf32>,
      %broadcast_in_dim3A_46 = arith.constant 0.000000e+00 : f32
      %broadcast_in_dim3A_47 = vector.broadcast %broadcast_in_dim3A_46 : f32 to vector<768x1xf32>
      %swap3A_48 = arith.constant 0 : index
      %swap3A_49 = arith.constant 0 : index
      %swap3A_50 = vector.load %arg8[%swap3A_48, %swap3A_49] : memref<768x1xf32, #tpu.memory_space<vmem>>, vector<768x1xf32>
      tpu.vector_store %arg8[%swap3A_48, %swap3A_49], %broadcast_in_dim3A_47 {strides = array<i32>} : memref<768x1xf32, #tpu.memory_space<vmem>>, vector<768x1xf32>,
    } else {
    }
    %get3A = arith.constant 0 : index
    %get3A_2 = arith.constant 0 : index
    %get3A_3 = vector.load %arg1[%get3A, %get3A_2] : memref<768x768xf32, #tpu.memory_space<vmem>>, vector<768x768xf32>
    %get3A_4 = arith.constant 0 : index
    %get3A_5 = arith.constant 0 : index
    %get3A_6 = vector.load %arg3[%get3A_4, %get3A_5] : memref<512x768xf32, #tpu.memory_space<vmem>>, vector<512x768xf32>
    %dot_general3A = arith.constant dense<0.000000e+00> : vector<768x512xf32>
    %dot_general3A_7 = tpu.matmul %get3A_3, %get3A_6, %dot_general3A {dimension_numbers = #tpu.dot_dimension_numbers<[1], [1], [0], [0], [0, 0, 1, 0], [], []>, transpose_lhs_hint = false} : vector<768x768xf32>, vector<512x768xf32>, vector<768x512xf32> -> vector<768x512xf32>
    %get3A_8 = arith.constant 0 : index
    %get3A_9 = arith.constant 0 : index
    %get3A_10 = vector.load %arg2[%get3A_8, %get3A_9] : memref<768x1xf32, #tpu.memory_space<vmem>>, vector<768x1xf32>
    %add3A = vector.broadcast %get3A_10 : vector<768x1xf32> to vector<768x512xf32>
    %add3A_11 = arith.addf %dot_general3A_7, %add3A : vector<768x512xf32>
    %mul3A = arith.constant 1.250000e-01 : f32
    %mul3A_12 = vector.broadcast %mul3A : f32 to vector<768x512xf32>
    %mul3A_13 = arith.mulf %add3A_11, %mul3A_12 : vector<768x512xf32>
    %swap3A = arith.constant 0 : index
    %swap3A_14 = arith.constant 0 : index
    %swap3A_15 = vector.load %arg4[%swap3A, %swap3A_14] : memref<768x512xf32, #tpu.memory_space<vmem>>, vector<768x512xf32>
    tpu.vector_store %arg4[%swap3A, %swap3A_14], %mul3A_13 {strides = array<i32>} : memref<768x512xf32, #tpu.memory_space<vmem>>, vector<768x512xf32>,
    %get3A_16 = arith.constant 0 : index
    %get3A_17 = arith.constant 0 : index
    %get3A_18 = vector.load %arg7[%get3A_16, %get3A_17] : memref<768x1xf32, #tpu.memory_space<vmem>>, vector<768x1xf32>
    %reduce_max3A = arith.constant dense<0xFF800000> : vector<768xf32>
    %reduce_max3A_19 = vector.multi_reduction <maximumf>, %mul3A_13, %reduce_max3A [1] : vector<768x512xf32> to vector<768xf32>
    %broadcast_in_dim3A = vector.shape_cast %reduce_max3A_19 : vector<768xf32> to vector<768x1xf32>
    %max3A = arith.maximumf %get3A_18, %broadcast_in_dim3A : vector<768x1xf32>
    %swap3A_20 = arith.constant 0 : index
    %swap3A_21 = arith.constant 0 : index
    %swap3A_22 = vector.load %arg7[%swap3A_20, %swap3A_21] : memref<768x1xf32, #tpu.memory_space<vmem>>, vector<768x1xf32>
    tpu.vector_store %arg7[%swap3A_20, %swap3A_21], %max3A {strides = array<i32>} : memref<768x1xf32, #tpu.memory_space<vmem>>, vector<768x1xf32>,
    %get3A_23 = arith.constant 0 : index
    %get3A_24 = arith.constant 0 : index
    %get3A_25 = vector.load %arg8[%get3A_23, %get3A_24] : memref<768x1xf32, #tpu.memory_space<vmem>>, vector<768x1xf32>
    %sub3A = arith.subf %get3A_18, %max3A : vector<768x1xf32>
    %exp3A = math.exp %sub3A : vector<768x1xf32>
    %mul3A_26 = arith.mulf %get3A_25, %exp3A : vector<768x1xf32>
    %sub3A_27 = vector.broadcast %max3A : vector<768x1xf32> to vector<768x512xf32>
    %sub3A_28 = arith.subf %mul3A_13, %sub3A_27 : vector<768x512xf32>
    %exp3A_29 = math.exp %sub3A_28 : vector<768x512xf32>
    %reduce_sum3A = arith.constant dense<0.000000e+00> : vector<768xf32>
    %reduce_sum3A_30 = vector.multi_reduction <add>, %exp3A_29, %reduce_sum3A [1] : vector<768x512xf32> to vector<768xf32>
    %broadcast_in_dim3A_31 = vector.shape_cast %reduce_sum3A_30 : vector<768xf32> to vector<768x1xf32>
    %add3A_32 = arith.addf %mul3A_26, %broadcast_in_dim3A_31 : vector<768x1xf32>
    %swap3A_33 = arith.constant 0 : index
    %swap3A_34 = arith.constant 0 : index
    %swap3A_35 = vector.load %arg8[%swap3A_33, %swap3A_34] : memref<768x1xf32, #tpu.memory_space<vmem>>, vector<768x1xf32>
    tpu.vector_store %arg8[%swap3A_33, %swap3A_34], %add3A_32 {strides = array<i32>} : memref<768x1xf32, #tpu.memory_space<vmem>>, vector<768x1xf32>,
    %eq3A_36 = arith.constant 15 : i32
    %eq3A_37 = arith.cmpi eq, %arg0, %eq3A_36 : i32
    %convert_element_type3A_38 = arith.extui %eq3A_37 : i1 to i32
    %cond3A_39 = arith.constant 0 : i32
    %cond3A_40 = arith.cmpi ne, %convert_element_type3A_38, %cond3A_39 : i32
    scf.if %cond3A_40 {
      %get3A_41 = arith.constant 0 : index
      %get3A_42 = arith.constant 0 : index
      %get3A_43 = vector.load %arg7[%get3A_41, %get3A_42] : memref<768x1xf32, #tpu.memory_space<vmem>>, vector<768x1xf32>
      %swap3A_44 = arith.constant 0 : index
      %swap3A_45 = arith.constant 0 : index
      %swap3A_46 = vector.load %arg5[%swap3A_44, %swap3A_45] : memref<768x1xf32, #tpu.memory_space<vmem>>, vector<768x1xf32>
      tpu.vector_store %arg5[%swap3A_44, %swap3A_45], %get3A_43 {strides = array<i32>} : memref<768x1xf32, #tpu.memory_space<vmem>>, vector<768x1xf32>,
      %get3A_47 = arith.constant 0 : index
      %get3A_48 = arith.constant 0 : index
      %get3A_49 = vector.load %arg8[%get3A_47, %get3A_48] : memref<768x1xf32, #tpu.memory_space<vmem>>, vector<768x1xf32>
      %swap3A_50 = arith.constant 0 : index
      %swap3A_51 = arith.constant 0 : index
      %swap3A_52 = vector.load %arg6[%swap3A_50, %swap3A_51] : memref<768x1xf32, #tpu.memory_space<vmem>>, vector<768x1xf32>
      tpu.vector_store %arg6[%swap3A_50, %swap3A_51], %get3A_49 {strides = array<i32>} : memref<768x1xf32, #tpu.memory_space<vmem>>, vector<768x1xf32>,
    } else {
    }
    return
  }
  func.func @transform_0(%arg0: i32) -> (i32, i32) {
    %c0_i32 = arith.constant 0 : i32
    %c0_i32_0 = arith.constant 0 : i32
    %c0_i32_1 = arith.constant 0 : i32
    return %c0_i32, %c0_i32_0 : i32, i32
  }
  func.func @transform_1(%arg0: i32) -> (i32, i32) {
    %c0_i32 = arith.constant 0 : i32
    %c0_i32_0 = arith.constant 0 : i32
    %c0_i32_1 = arith.constant 0 : i32
    return %c0_i32, %c0_i32_0 : i32, i32
  }
  func.func @transform_2(%arg0: i32) -> (i32, i32) {
    %c0_i32 = arith.constant 0 : i32
    %c0_i32_0 = arith.constant 0 : i32
    return %arg0, %c0_i32 : i32, i32
  }
  func.func @transform_3(%arg0: i32) -> (i32, i32) {
    %c0_i32 = arith.constant 0 : i32
    %c0_i32_0 = arith.constant 0 : i32
    return %c0_i32, %arg0 : i32, i32
  }
  func.func @transform_4(%arg0: i32) -> (i32, i32) {
    %c0_i32 = arith.constant 0 : i32
    %c0_i32_0 = arith.constant 0 : i32
    %c0_i32_1 = arith.constant 0 : i32
    return %c0_i32, %c0_i32_0 : i32, i32
  }
  func.func @transform_5(%arg0: i32) -> (i32, i32) {
    %c0_i32 = arith.constant 0 : i32
    %c0_i32_0 = arith.constant 0 : i32
    %c0_i32_1 = arith.constant 0 : i32
    return %c0_i32, %c0_i32_0 : i32, i32
  }
}

module attributes {stable_mosaic.version = 14 : i64} {
  func.func @_g_kernel(%arg0: i32, %arg1: memref<768x512xf32, #tpu.memory_space<vmem>>, %arg2: memref<768x1xf32, #tpu.memory_space<vmem>>, %arg3: memref<768x1xf32, #tpu.memory_space<vmem>>, %arg4: memref<512x768xf32, #tpu.memory_space<vmem>>, %arg5: memref<12x50x512xf32, #tpu.memory_space<vmem>>, %arg6: memref<768x768xf32, #tpu.memory_space<vmem>>, %arg7: memref<1x768xf32, #tpu.memory_space<vmem>>, %arg8: memref<768x768xf32, #tpu.memory_space<vmem>>, %arg9: memref<1x768xf32, #tpu.memory_space<vmem>>) attributes {dimension_semantics = [#tpu.dimension_semantics<arbitrary>], iteration_bounds = array<i64: 16>, scalar_prefetch = 0 : i64, scratch_operands = 2 : i64, tpu.core_type = #tpu.core_type<tc>, window_params = [{transform_indices = @transform_0, window_bounds = array<i64: 768, 512>}, {pipeline_mode = #tpu.pipeline_mode<synchronous>, transform_indices = @transform_1, window_bounds = array<i64: 768, 1>}, {pipeline_mode = #tpu.pipeline_mode<synchronous>, transform_indices = @transform_2, window_bounds = array<i64: 768, 1>}, {transform_indices = @transform_3, window_bounds = array<i64: 512, 768>}, {transform_indices = @transform_4, window_bounds = array<i64: 12, 50, 512>}, {pipeline_mode = #tpu.pipeline_mode<synchronous>, transform_indices = @transform_5, window_bounds = array<i64: 768, 768>}, {pipeline_mode = #tpu.pipeline_mode<synchronous>, transform_indices = @transform_6, window_bounds = array<i64: 1, 768>}]} {
    %eq3A = arith.constant 0 : i32
    %eq3A_0 = arith.cmpi eq, %arg0, %eq3A : i32
    %convert_element_type3A = arith.extui %eq3A_0 : i1 to i32
    %cond3A = arith.constant 0 : i32
    %cond3A_1 = arith.cmpi ne, %convert_element_type3A, %cond3A : i32
    scf.if %cond3A_1 {
      %broadcast_in_dim3A_38 = arith.constant 0.000000e+00 : f32
      %broadcast_in_dim3A_39 = vector.broadcast %broadcast_in_dim3A_38 : f32 to vector<768x768xf32>
      %swap3A_40 = arith.constant 0 : index
      %swap3A_41 = arith.constant 0 : index
      %swap3A_42 = vector.load %arg8[%swap3A_40, %swap3A_41] : memref<768x768xf32, #tpu.memory_space<vmem>>, vector<768x768xf32>
      tpu.vector_store %arg8[%swap3A_40, %swap3A_41], %broadcast_in_dim3A_39 {strides = array<i32>} : memref<768x768xf32, #tpu.memory_space<vmem>>, vector<768x768xf32>,
      %broadcast_in_dim3A_43 = arith.constant 0.000000e+00 : f32
      %broadcast_in_dim3A_44 = vector.broadcast %broadcast_in_dim3A_43 : f32 to vector<1x768xf32>
      %swap3A_45 = arith.constant 0 : index
      %swap3A_46 = arith.constant 0 : index
      %swap3A_47 = vector.load %arg9[%swap3A_45, %swap3A_46] : memref<1x768xf32, #tpu.memory_space<vmem>>, vector<1x768xf32>
      tpu.vector_store %arg9[%swap3A_45, %swap3A_46], %broadcast_in_dim3A_44 {strides = array<i32>} : memref<1x768xf32, #tpu.memory_space<vmem>>, vector<1x768xf32>,
    } else {
    }
    %get3A = arith.constant 0 : index
    %get3A_2 = arith.constant 0 : index
    %get3A_3 = vector.load %arg1[%get3A, %get3A_2] : memref<768x512xf32, #tpu.memory_space<vmem>>, vector<768x512xf32>
    %get3A_4 = arith.constant 0 : index
    %get3A_5 = arith.constant 0 : index
    %get3A_6 = vector.load %arg2[%get3A_4, %get3A_5] : memref<768x1xf32, #tpu.memory_space<vmem>>, vector<768x1xf32>
    %sub3A = vector.broadcast %get3A_6 : vector<768x1xf32> to vector<768x512xf32>
    %sub3A_7 = arith.subf %get3A_3, %sub3A : vector<768x512xf32>
    %exp3A = math.exp %sub3A_7 : vector<768x512xf32>
    %get3A_8 = arith.constant 0 : index
    %get3A_9 = arith.constant 0 : index
    %get3A_10 = vector.load %arg3[%get3A_8, %get3A_9] : memref<768x1xf32, #tpu.memory_space<vmem>>, vector<768x1xf32>
    %div3A = vector.broadcast %get3A_10 : vector<768x1xf32> to vector<768x512xf32>
    %div3A_11 = arith.divf %exp3A, %div3A : vector<768x512xf32>
    %reshape3A = vector.shape_cast %div3A_11 : vector<768x512xf32> to vector<12x64x512xf32>
    %slice3A = vector.extract_strided_slice %reshape3A {offsets = [0, 0, 0], sizes = [12, 50, 512], strides = [1, 1, 1]} : vector<12x64x512xf32> to vector<12x50x512xf32>
    %swap3A = arith.constant 0 : index
    %swap3A_12 = arith.constant 0 : index
    %swap3A_13 = arith.constant 0 : index
    %swap3A_14 = vector.load %arg5[%swap3A, %swap3A_12, %swap3A_13] : memref<12x50x512xf32, #tpu.memory_space<vmem>>, vector<12x50x512xf32>
    tpu.vector_store %arg5[%swap3A, %swap3A_12, %swap3A_13], %slice3A {strides = array<i32>} : memref<12x50x512xf32, #tpu.memory_space<vmem>>, vector<12x50x512xf32>,
    %get3A_15 = arith.constant 0 : index
    %get3A_16 = arith.constant 0 : index
    %get3A_17 = vector.load %arg4[%get3A_15, %get3A_16] : memref<512x768xf32, #tpu.memory_space<vmem>>, vector<512x768xf32>
    %get3A_18 = arith.constant 0 : index
    %get3A_19 = arith.constant 0 : index
    %get3A_20 = vector.load %arg8[%get3A_18, %get3A_19] : memref<768x768xf32, #tpu.memory_space<vmem>>, vector<768x768xf32>
    %dot_general3A = arith.constant dense<0.000000e+00> : vector<768x768xf32>
    %dot_general3A_21 = tpu.matmul %div3A_11, %get3A_17, %dot_general3A {dimension_numbers = #tpu.dot_dimension_numbers<[1], [0], [0], [1], [0, 0, 1, 1], [], []>, transpose_lhs_hint = false} : vector<768x512xf32>, vector<512x768xf32>, vector<768x768xf32> -> vector<768x768xf32>
    %add3A = arith.addf %get3A_20, %dot_general3A_21 : vector<768x768xf32>
    %swap3A_22 = arith.constant 0 : index
    %swap3A_23 = arith.constant 0 : index
    %swap3A_24 = vector.load %arg8[%swap3A_22, %swap3A_23] : memref<768x768xf32, #tpu.memory_space<vmem>>, vector<768x768xf32>
    tpu.vector_store %arg8[%swap3A_22, %swap3A_23], %add3A {strides = array<i32>} : memref<768x768xf32, #tpu.memory_space<vmem>>, vector<768x768xf32>,
    %get3A_25 = arith.constant 0 : index
    %get3A_26 = arith.constant 0 : index
    %get3A_27 = vector.load %arg9[%get3A_25, %get3A_26] : memref<1x768xf32, #tpu.memory_space<vmem>>, vector<1x768xf32>
    %reduce_sum3A = arith.constant dense<0.000000e+00> : vector<768xf32>
    %reduce_sum3A_28 = vector.multi_reduction <add>, %get3A_17, %reduce_sum3A [0] : vector<512x768xf32> to vector<768xf32>
    %broadcast_in_dim3A = vector.shape_cast %reduce_sum3A_28 : vector<768xf32> to vector<1x768xf32>
    %add3A_29 = arith.addf %get3A_27, %broadcast_in_dim3A : vector<1x768xf32>
    %swap3A_30 = arith.constant 0 : index
    %swap3A_31 = arith.constant 0 : index
    %swap3A_32 = vector.load %arg9[%swap3A_30, %swap3A_31] : memref<1x768xf32, #tpu.memory_space<vmem>>, vector<1x768xf32>
    tpu.vector_store %arg9[%swap3A_30, %swap3A_31], %add3A_29 {strides = array<i32>} : memref<1x768xf32, #tpu.memory_space<vmem>>, vector<1x768xf32>,
    %eq3A_33 = arith.constant 15 : i32
    %eq3A_34 = arith.cmpi eq, %arg0, %eq3A_33 : i32
    %convert_element_type3A_35 = arith.extui %eq3A_34 : i1 to i32
    %cond3A_36 = arith.constant 0 : i32
    %cond3A_37 = arith.cmpi ne, %convert_element_type3A_35, %cond3A_36 : i32
    scf.if %cond3A_37 {
      %get3A_38 = arith.constant 0 : index
      %get3A_39 = arith.constant 0 : index
      %get3A_40 = vector.load %arg8[%get3A_38, %get3A_39] : memref<768x768xf32, #tpu.memory_space<vmem>>, vector<768x768xf32>
      %swap3A_41 = arith.constant 0 : index
      %swap3A_42 = arith.constant 0 : index
      %swap3A_43 = vector.load %arg6[%swap3A_41, %swap3A_42] : memref<768x768xf32, #tpu.memory_space<vmem>>, vector<768x768xf32>
      tpu.vector_store %arg6[%swap3A_41, %swap3A_42], %get3A_40 {strides = array<i32>} : memref<768x768xf32, #tpu.memory_space<vmem>>, vector<768x768xf32>,
      %get3A_44 = arith.constant 0 : index
      %get3A_45 = arith.constant 0 : index
      %get3A_46 = vector.load %arg9[%get3A_44, %get3A_45] : memref<1x768xf32, #tpu.memory_space<vmem>>, vector<1x768xf32>
      %swap3A_47 = arith.constant 0 : index
      %swap3A_48 = arith.constant 0 : index
      %swap3A_49 = vector.load %arg7[%swap3A_47, %swap3A_48] : memref<1x768xf32, #tpu.memory_space<vmem>>, vector<1x768xf32>
      tpu.vector_store %arg7[%swap3A_47, %swap3A_48], %get3A_46 {strides = array<i32>} : memref<1x768xf32, #tpu.memory_space<vmem>>, vector<1x768xf32>,
    } else {
    }
    return
  }
  func.func @transform_0(%arg0: i32) -> (i32, i32) {
    %c0_i32 = arith.constant 0 : i32
    %c0_i32_0 = arith.constant 0 : i32
    return %c0_i32, %arg0 : i32, i32
  }
  func.func @transform_1(%arg0: i32) -> (i32, i32) {
    %c0_i32 = arith.constant 0 : i32
    %c0_i32_0 = arith.constant 0 : i32
    %c0_i32_1 = arith.constant 0 : i32
    return %c0_i32, %c0_i32_0 : i32, i32
  }
  func.func @transform_2(%arg0: i32) -> (i32, i32) {
    %c0_i32 = arith.constant 0 : i32
    %c0_i32_0 = arith.constant 0 : i32
    %c0_i32_1 = arith.constant 0 : i32
    return %c0_i32, %c0_i32_0 : i32, i32
  }
  func.func @transform_3(%arg0: i32) -> (i32, i32) {
    %c0_i32 = arith.constant 0 : i32
    %c0_i32_0 = arith.constant 0 : i32
    return %arg0, %c0_i32 : i32, i32
  }
  func.func @transform_4(%arg0: i32) -> (i32, i32, i32) {
    %c0_i32 = arith.constant 0 : i32
    %c0_i32_0 = arith.constant 0 : i32
    %c0_i32_1 = arith.constant 0 : i32
    return %c0_i32, %c0_i32_0, %arg0 : i32, i32, i32
  }
  func.func @transform_5(%arg0: i32) -> (i32, i32) {
    %c0_i32 = arith.constant 0 : i32
    %c0_i32_0 = arith.constant 0 : i32
    %c0_i32_1 = arith.constant 0 : i32
    return %c0_i32, %c0_i32_0 : i32, i32
  }
  func.func @transform_6(%arg0: i32) -> (i32, i32) {
    %c0_i32 = arith.constant 0 : i32
    %c0_i32_0 = arith.constant 0 : i32
    %c0_i32_1 = arith.constant 0 : i32
    return %c0_i32, %c0_i32_0 : i32, i32
  }
}

module attributes {stable_mosaic.version = 14 : i64} {
  func.func @_h_kernel(%arg0: memref<768x768xf32, #tpu.memory_space<vmem>>, %arg1: memref<1x768xf32, #tpu.memory_space<vmem>>, %arg2: memref<768x768xf32, #tpu.memory_space<vmem>>, %arg3: memref<1x768xf32, #tpu.memory_space<vmem>>, %arg4: memref<768x768xf32, #tpu.memory_space<vmem>>, %arg5: memref<1x768xf32, #tpu.memory_space<vmem>>, %arg6: memref<768x768xf32, #tpu.memory_space<vmem>>, %arg7: memref<1x768xf32, #tpu.memory_space<vmem>>) attributes {dimension_semantics = [], scalar_prefetch = 0 : i64, scratch_operands = 0 : i64, tpu.core_type = #tpu.core_type<tc>} {
    %get3A = arith.constant 0 : index
    %get3A_0 = arith.constant 0 : index
    %get3A_1 = vector.load %arg1[%get3A, %get3A_0] : memref<1x768xf32, #tpu.memory_space<vmem>>, vector<1x768xf32>
    %mul3A = arith.constant 1.22070313E-4 : f32
    %mul3A_2 = vector.broadcast %mul3A : f32 to vector<1x768xf32>
    %mul3A_3 = arith.mulf %get3A_1, %mul3A_2 : vector<1x768xf32>
    %get3A_4 = arith.constant 0 : index
    %get3A_5 = arith.constant 0 : index
    %get3A_6 = vector.load %arg2[%get3A_4, %get3A_5] : memref<768x768xf32, #tpu.memory_space<vmem>>, vector<768x768xf32>
    %get3A_7 = arith.constant 0 : index
    %get3A_8 = arith.constant 0 : index
    %get3A_9 = vector.load %arg4[%get3A_7, %get3A_8] : memref<768x768xf32, #tpu.memory_space<vmem>>, vector<768x768xf32>
    %dot_general3A = arith.constant dense<0.000000e+00> : vector<1x768xf32>
    %dot_general3A_10 = tpu.matmul %mul3A_3, %get3A_6, %dot_general3A {dimension_numbers = #tpu.dot_dimension_numbers<[1], [0], [0], [1], [0, 0, 1, 1], [], []>, transpose_lhs_hint = false} : vector<1x768xf32>, vector<768x768xf32>, vector<1x768xf32> -> vector<1x768xf32>
    %get3A_11 = arith.constant 0 : index
    %get3A_12 = arith.constant 0 : index
    %get3A_13 = vector.load %arg3[%get3A_11, %get3A_12] : memref<1x768xf32, #tpu.memory_space<vmem>>, vector<1x768xf32>
    %add3A = arith.addf %dot_general3A_10, %get3A_13 : vector<1x768xf32>
    %dot_general3A_14 = arith.constant dense<0.000000e+00> : vector<1x768xf32>
    %dot_general3A_15 = tpu.matmul %add3A, %get3A_9, %dot_general3A_14 {dimension_numbers = #tpu.dot_dimension_numbers<[1], [0], [0], [1], [0, 0, 1, 1], [], []>, transpose_lhs_hint = false} : vector<1x768xf32>, vector<768x768xf32>, vector<1x768xf32> -> vector<1x768xf32>
    %get3A_16 = arith.constant 0 : index
    %get3A_17 = arith.constant 0 : index
    %get3A_18 = vector.load %arg5[%get3A_16, %get3A_17] : memref<1x768xf32, #tpu.memory_space<vmem>>, vector<1x768xf32>
    %add3A_19 = arith.addf %dot_general3A_15, %get3A_18 : vector<1x768xf32>
    %swap3A = arith.constant 0 : index
    %swap3A_20 = arith.constant 0 : index
    %swap3A_21 = vector.load %arg7[%swap3A, %swap3A_20] : memref<1x768xf32, #tpu.memory_space<vmem>>, vector<1x768xf32>
    tpu.vector_store %arg7[%swap3A, %swap3A_20], %add3A_19 {strides = array<i32>} : memref<1x768xf32, #tpu.memory_space<vmem>>, vector<1x768xf32>,
    %get3A_22 = arith.constant 0 : index
    %get3A_23 = arith.constant 0 : index
    %get3A_24 = vector.load %arg0[%get3A_22, %get3A_23] : memref<768x768xf32, #tpu.memory_space<vmem>>, vector<768x768xf32>
    %slice3A = vector.extract_strided_slice %get3A_24 {offsets = [0, 0], sizes = [64, 768], strides = [1, 1]} : vector<768x768xf32> to vector<64x768xf32>
    %slice3A_25 = vector.extract_strided_slice %get3A_6 {offsets = [0, 0], sizes = [768, 64], strides = [1, 1]} : vector<768x768xf32> to vector<768x64xf32>
    %dot_general3A_26 = arith.constant dense<0.000000e+00> : vector<64x64xf32>
    %dot_general3A_27 = tpu.matmul %slice3A, %slice3A_25, %dot_general3A_26 {dimension_numbers = #tpu.dot_dimension_numbers<[1], [0], [0], [1], [0, 0, 1, 1], [], []>, transpose_lhs_hint = false} : vector<64x768xf32>, vector<768x64xf32>, vector<64x64xf32> -> vector<64x64xf32>
    %get3A_28 = arith.constant 0 : index
    %get3A_29 = arith.constant 0 : index
    %get3A_30 = vector.load %arg3[%get3A_28, %get3A_29] : memref<1x768xf32, #tpu.memory_space<vmem>>, vector<1x64xf32>
    %add3A_31 = vector.broadcast %get3A_30 : vector<1x64xf32> to vector<64x64xf32>
    %add3A_32 = arith.addf %dot_general3A_27, %add3A_31 : vector<64x64xf32>
    %slice3A_33 = vector.extract_strided_slice %add3A {offsets = [0, 0], sizes = [1, 64], strides = [1, 1]} : vector<1x768xf32> to vector<1x64xf32>
    %sub3A = vector.broadcast %slice3A_33 : vector<1x64xf32> to vector<64x64xf32>
    %sub3A_34 = arith.subf %add3A_32, %sub3A : vector<64x64xf32>
    %slice3A_35 = vector.extract_strided_slice %get3A_9 {offsets = [0, 0], sizes = [64, 768], strides = [1, 1]} : vector<768x768xf32> to vector<64x768xf32>
    %dot_general3A_36 = arith.constant dense<0.000000e+00> : vector<64x768xf32>
    %dot_general3A_37 = tpu.matmul %sub3A_34, %slice3A_35, %dot_general3A_36 {dimension_numbers = #tpu.dot_dimension_numbers<[1], [0], [0], [1], [0, 0, 1, 1], [], []>, transpose_lhs_hint = false} : vector<64x64xf32>, vector<64x768xf32>, vector<64x768xf32> -> vector<64x768xf32>
    %swap3A_38 = arith.constant 0 : index
    %swap3A_39 = arith.constant 0 : index
    %swap3A_40 = vector.load %arg6[%swap3A_38, %swap3A_39] : memref<768x768xf32, #tpu.memory_space<vmem>>, vector<64x768xf32>
    tpu.vector_store %arg6[%swap3A_38, %swap3A_39], %dot_general3A_37 {strides = array<i32>} : memref<768x768xf32, #tpu.memory_space<vmem>>, vector<64x768xf32>,
    %slice3A_41 = vector.extract_strided_slice %get3A_24 {offsets = [64, 0], sizes = [64, 768], strides = [1, 1]} : vector<768x768xf32> to vector<64x768xf32>
    %slice3A_42 = vector.extract_strided_slice %get3A_6 {offsets = [0, 64], sizes = [768, 64], strides = [1, 1]} : vector<768x768xf32> to vector<768x64xf32>
    %dot_general3A_43 = arith.constant dense<0.000000e+00> : vector<64x64xf32>
    %dot_general3A_44 = tpu.matmul %slice3A_41, %slice3A_42, %dot_general3A_43 {dimension_numbers = #tpu.dot_dimension_numbers<[1], [0], [0], [1], [0, 0, 1, 1], [], []>, transpose_lhs_hint = false} : vector<64x768xf32>, vector<768x64xf32>, vector<64x64xf32> -> vector<64x64xf32>
    %get3A_45 = arith.constant 0 : index
    %get3A_46 = arith.constant 64 : index
    %get3A_47 = vector.load %arg3[%get3A_45, %get3A_46] : memref<1x768xf32, #tpu.memory_space<vmem>>, vector<1x64xf32>
    %add3A_48 = vector.broadcast %get3A_47 : vector<1x64xf32> to vector<64x64xf32>
    %add3A_49 = arith.addf %dot_general3A_44, %add3A_48 : vector<64x64xf32>
    %slice3A_50 = vector.extract_strided_slice %add3A {offsets = [0, 64], sizes = [1, 64], strides = [1, 1]} : vector<1x768xf32> to vector<1x64xf32>
    %sub3A_51 = vector.broadcast %slice3A_50 : vector<1x64xf32> to vector<64x64xf32>
    %sub3A_52 = arith.subf %add3A_49, %sub3A_51 : vector<64x64xf32>
    %slice3A_53 = vector.extract_strided_slice %get3A_9 {offsets = [64, 0], sizes = [64, 768], strides = [1, 1]} : vector<768x768xf32> to vector<64x768xf32>
    %dot_general3A_54 = arith.constant dense<0.000000e+00> : vector<64x768xf32>
    %dot_general3A_55 = tpu.matmul %sub3A_52, %slice3A_53, %dot_general3A_54 {dimension_numbers = #tpu.dot_dimension_numbers<[1], [0], [0], [1], [0, 0, 1, 1], [], []>, transpose_lhs_hint = false} : vector<64x64xf32>, vector<64x768xf32>, vector<64x768xf32> -> vector<64x768xf32>
    %swap3A_56 = arith.constant 64 : index
    %swap3A_57 = arith.constant 0 : index
    %swap3A_58 = vector.load %arg6[%swap3A_56, %swap3A_57] : memref<768x768xf32, #tpu.memory_space<vmem>>, vector<64x768xf32>
    tpu.vector_store %arg6[%swap3A_56, %swap3A_57], %dot_general3A_55 {strides = array<i32>} : memref<768x768xf32, #tpu.memory_space<vmem>>, vector<64x768xf32>,
    %slice3A_59 = vector.extract_strided_slice %get3A_24 {offsets = [128, 0], sizes = [64, 768], strides = [1, 1]} : vector<768x768xf32> to vector<64x768xf32>
    %slice3A_60 = vector.extract_strided_slice %get3A_6 {offsets = [0, 128], sizes = [768, 64], strides = [1, 1]} : vector<768x768xf32> to vector<768x64xf32>
    %dot_general3A_61 = arith.constant dense<0.000000e+00> : vector<64x64xf32>
    %dot_general3A_62 = tpu.matmul %slice3A_59, %slice3A_60, %dot_general3A_61 {dimension_numbers = #tpu.dot_dimension_numbers<[1], [0], [0], [1], [0, 0, 1, 1], [], []>, transpose_lhs_hint = false} : vector<64x768xf32>, vector<768x64xf32>, vector<64x64xf32> -> vector<64x64xf32>
    %get3A_63 = arith.constant 0 : index
    %get3A_64 = arith.constant 128 : index
    %get3A_65 = vector.load %arg3[%get3A_63, %get3A_64] : memref<1x768xf32, #tpu.memory_space<vmem>>, vector<1x64xf32>
    %add3A_66 = vector.broadcast %get3A_65 : vector<1x64xf32> to vector<64x64xf32>
    %add3A_67 = arith.addf %dot_general3A_62, %add3A_66 : vector<64x64xf32>
    %slice3A_68 = vector.extract_strided_slice %add3A {offsets = [0, 128], sizes = [1, 64], strides = [1, 1]} : vector<1x768xf32> to vector<1x64xf32>
    %sub3A_69 = vector.broadcast %slice3A_68 : vector<1x64xf32> to vector<64x64xf32>
    %sub3A_70 = arith.subf %add3A_67, %sub3A_69 : vector<64x64xf32>
    %slice3A_71 = vector.extract_strided_slice %get3A_9 {offsets = [128, 0], sizes = [64, 768], strides = [1, 1]} : vector<768x768xf32> to vector<64x768xf32>
    %dot_general3A_72 = arith.constant dense<0.000000e+00> : vector<64x768xf32>
    %dot_general3A_73 = tpu.matmul %sub3A_70, %slice3A_71, %dot_general3A_72 {dimension_numbers = #tpu.dot_dimension_numbers<[1], [0], [0], [1], [0, 0, 1, 1], [], []>, transpose_lhs_hint = false} : vector<64x64xf32>, vector<64x768xf32>, vector<64x768xf32> -> vector<64x768xf32>
    %swap3A_74 = arith.constant 128 : index
    %swap3A_75 = arith.constant 0 : index
    %swap3A_76 = vector.load %arg6[%swap3A_74, %swap3A_75] : memref<768x768xf32, #tpu.memory_space<vmem>>, vector<64x768xf32>
    tpu.vector_store %arg6[%swap3A_74, %swap3A_75], %dot_general3A_73 {strides = array<i32>} : memref<768x768xf32, #tpu.memory_space<vmem>>, vector<64x768xf32>,
    %slice3A_77 = vector.extract_strided_slice %get3A_24 {offsets = [192, 0], sizes = [64, 768], strides = [1, 1]} : vector<768x768xf32> to vector<64x768xf32>
    %slice3A_78 = vector.extract_strided_slice %get3A_6 {offsets = [0, 192], sizes = [768, 64], strides = [1, 1]} : vector<768x768xf32> to vector<768x64xf32>
    %dot_general3A_79 = arith.constant dense<0.000000e+00> : vector<64x64xf32>
    %dot_general3A_80 = tpu.matmul %slice3A_77, %slice3A_78, %dot_general3A_79 {dimension_numbers = #tpu.dot_dimension_numbers<[1], [0], [0], [1], [0, 0, 1, 1], [], []>, transpose_lhs_hint = false} : vector<64x768xf32>, vector<768x64xf32>, vector<64x64xf32> -> vector<64x64xf32>
    %get3A_81 = arith.constant 0 : index
    %get3A_82 = arith.constant 192 : index
    %get3A_83 = vector.load %arg3[%get3A_81, %get3A_82] : memref<1x768xf32, #tpu.memory_space<vmem>>, vector<1x64xf32>
    %add3A_84 = vector.broadcast %get3A_83 : vector<1x64xf32> to vector<64x64xf32>
    %add3A_85 = arith.addf %dot_general3A_80, %add3A_84 : vector<64x64xf32>
    %slice3A_86 = vector.extract_strided_slice %add3A {offsets = [0, 192], sizes = [1, 64], strides = [1, 1]} : vector<1x768xf32> to vector<1x64xf32>
    %sub3A_87 = vector.broadcast %slice3A_86 : vector<1x64xf32> to vector<64x64xf32>
    %sub3A_88 = arith.subf %add3A_85, %sub3A_87 : vector<64x64xf32>
    %slice3A_89 = vector.extract_strided_slice %get3A_9 {offsets = [192, 0], sizes = [64, 768], strides = [1, 1]} : vector<768x768xf32> to vector<64x768xf32>
    %dot_general3A_90 = arith.constant dense<0.000000e+00> : vector<64x768xf32>
    %dot_general3A_91 = tpu.matmul %sub3A_88, %slice3A_89, %dot_general3A_90 {dimension_numbers = #tpu.dot_dimension_numbers<[1], [0], [0], [1], [0, 0, 1, 1], [], []>, transpose_lhs_hint = false} : vector<64x64xf32>, vector<64x768xf32>, vector<64x768xf32> -> vector<64x768xf32>
    %swap3A_92 = arith.constant 192 : index
    %swap3A_93 = arith.constant 0 : index
    %swap3A_94 = vector.load %arg6[%swap3A_92, %swap3A_93] : memref<768x768xf32, #tpu.memory_space<vmem>>, vector<64x768xf32>
    tpu.vector_store %arg6[%swap3A_92, %swap3A_93], %dot_general3A_91 {strides = array<i32>} : memref<768x768xf32, #tpu.memory_space<vmem>>, vector<64x768xf32>,
    %slice3A_95 = vector.extract_strided_slice %get3A_24 {offsets = [256, 0], sizes = [64, 768], strides = [1, 1]} : vector<768x768xf32> to vector<64x768xf32>
    %slice3A_96 = vector.extract_strided_slice %get3A_6 {offsets = [0, 256], sizes = [768, 64], strides = [1, 1]} : vector<768x768xf32> to vector<768x64xf32>
    %dot_general3A_97 = arith.constant dense<0.000000e+00> : vector<64x64xf32>
    %dot_general3A_98 = tpu.matmul %slice3A_95, %slice3A_96, %dot_general3A_97 {dimension_numbers = #tpu.dot_dimension_numbers<[1], [0], [0], [1], [0, 0, 1, 1], [], []>, transpose_lhs_hint = false} : vector<64x768xf32>, vector<768x64xf32>, vector<64x64xf32> -> vector<64x64xf32>
    %get3A_99 = arith.constant 0 : index
    %get3A_100 = arith.constant 256 : index
    %get3A_101 = vector.load %arg3[%get3A_99, %get3A_100] : memref<1x768xf32, #tpu.memory_space<vmem>>, vector<1x64xf32>
    %add3A_102 = vector.broadcast %get3A_101 : vector<1x64xf32> to vector<64x64xf32>
    %add3A_103 = arith.addf %dot_general3A_98, %add3A_102 : vector<64x64xf32>
    %slice3A_104 = vector.extract_strided_slice %add3A {offsets = [0, 256], sizes = [1, 64], strides = [1, 1]} : vector<1x768xf32> to vector<1x64xf32>
    %sub3A_105 = vector.broadcast %slice3A_104 : vector<1x64xf32> to vector<64x64xf32>
    %sub3A_106 = arith.subf %add3A_103, %sub3A_105 : vector<64x64xf32>
    %slice3A_107 = vector.extract_strided_slice %get3A_9 {offsets = [256, 0], sizes = [64, 768], strides = [1, 1]} : vector<768x768xf32> to vector<64x768xf32>
    %dot_general3A_108 = arith.constant dense<0.000000e+00> : vector<64x768xf32>
    %dot_general3A_109 = tpu.matmul %sub3A_106, %slice3A_107, %dot_general3A_108 {dimension_numbers = #tpu.dot_dimension_numbers<[1], [0], [0], [1], [0, 0, 1, 1], [], []>, transpose_lhs_hint = false} : vector<64x64xf32>, vector<64x768xf32>, vector<64x768xf32> -> vector<64x768xf32>
    %swap3A_110 = arith.constant 256 : index
    %swap3A_111 = arith.constant 0 : index
    %swap3A_112 = vector.load %arg6[%swap3A_110, %swap3A_111] : memref<768x768xf32, #tpu.memory_space<vmem>>, vector<64x768xf32>
    tpu.vector_store %arg6[%swap3A_110, %swap3A_111], %dot_general3A_109 {strides = array<i32>} : memref<768x768xf32, #tpu.memory_space<vmem>>, vector<64x768xf32>,
    %slice3A_113 = vector.extract_strided_slice %get3A_24 {offsets = [320, 0], sizes = [64, 768], strides = [1, 1]} : vector<768x768xf32> to vector<64x768xf32>
    %slice3A_114 = vector.extract_strided_slice %get3A_6 {offsets = [0, 320], sizes = [768, 64], strides = [1, 1]} : vector<768x768xf32> to vector<768x64xf32>
    %dot_general3A_115 = arith.constant dense<0.000000e+00> : vector<64x64xf32>
    %dot_general3A_116 = tpu.matmul %slice3A_113, %slice3A_114, %dot_general3A_115 {dimension_numbers = #tpu.dot_dimension_numbers<[1], [0], [0], [1], [0, 0, 1, 1], [], []>, transpose_lhs_hint = false} : vector<64x768xf32>, vector<768x64xf32>, vector<64x64xf32> -> vector<64x64xf32>
    %get3A_117 = arith.constant 0 : index
    %get3A_118 = arith.constant 320 : index
    %get3A_119 = vector.load %arg3[%get3A_117, %get3A_118] : memref<1x768xf32, #tpu.memory_space<vmem>>, vector<1x64xf32>
    %add3A_120 = vector.broadcast %get3A_119 : vector<1x64xf32> to vector<64x64xf32>
    %add3A_121 = arith.addf %dot_general3A_116, %add3A_120 : vector<64x64xf32>
    %slice3A_122 = vector.extract_strided_slice %add3A {offsets = [0, 320], sizes = [1, 64], strides = [1, 1]} : vector<1x768xf32> to vector<1x64xf32>
    %sub3A_123 = vector.broadcast %slice3A_122 : vector<1x64xf32> to vector<64x64xf32>
    %sub3A_124 = arith.subf %add3A_121, %sub3A_123 : vector<64x64xf32>
    %slice3A_125 = vector.extract_strided_slice %get3A_9 {offsets = [320, 0], sizes = [64, 768], strides = [1, 1]} : vector<768x768xf32> to vector<64x768xf32>
    %dot_general3A_126 = arith.constant dense<0.000000e+00> : vector<64x768xf32>
    %dot_general3A_127 = tpu.matmul %sub3A_124, %slice3A_125, %dot_general3A_126 {dimension_numbers = #tpu.dot_dimension_numbers<[1], [0], [0], [1], [0, 0, 1, 1], [], []>, transpose_lhs_hint = false} : vector<64x64xf32>, vector<64x768xf32>, vector<64x768xf32> -> vector<64x768xf32>
    %swap3A_128 = arith.constant 320 : index
    %swap3A_129 = arith.constant 0 : index
    %swap3A_130 = vector.load %arg6[%swap3A_128, %swap3A_129] : memref<768x768xf32, #tpu.memory_space<vmem>>, vector<64x768xf32>
    tpu.vector_store %arg6[%swap3A_128, %swap3A_129], %dot_general3A_127 {strides = array<i32>} : memref<768x768xf32, #tpu.memory_space<vmem>>, vector<64x768xf32>,
    %slice3A_131 = vector.extract_strided_slice %get3A_24 {offsets = [384, 0], sizes = [64, 768], strides = [1, 1]} : vector<768x768xf32> to vector<64x768xf32>
    %slice3A_132 = vector.extract_strided_slice %get3A_6 {offsets = [0, 384], sizes = [768, 64], strides = [1, 1]} : vector<768x768xf32> to vector<768x64xf32>
    %dot_general3A_133 = arith.constant dense<0.000000e+00> : vector<64x64xf32>
    %dot_general3A_134 = tpu.matmul %slice3A_131, %slice3A_132, %dot_general3A_133 {dimension_numbers = #tpu.dot_dimension_numbers<[1], [0], [0], [1], [0, 0, 1, 1], [], []>, transpose_lhs_hint = false} : vector<64x768xf32>, vector<768x64xf32>, vector<64x64xf32> -> vector<64x64xf32>
    %get3A_135 = arith.constant 0 : index
    %get3A_136 = arith.constant 384 : index
    %get3A_137 = vector.load %arg3[%get3A_135, %get3A_136] : memref<1x768xf32, #tpu.memory_space<vmem>>, vector<1x64xf32>
    %add3A_138 = vector.broadcast %get3A_137 : vector<1x64xf32> to vector<64x64xf32>
    %add3A_139 = arith.addf %dot_general3A_134, %add3A_138 : vector<64x64xf32>
    %slice3A_140 = vector.extract_strided_slice %add3A {offsets = [0, 384], sizes = [1, 64], strides = [1, 1]} : vector<1x768xf32> to vector<1x64xf32>
    %sub3A_141 = vector.broadcast %slice3A_140 : vector<1x64xf32> to vector<64x64xf32>
    %sub3A_142 = arith.subf %add3A_139, %sub3A_141 : vector<64x64xf32>
    %slice3A_143 = vector.extract_strided_slice %get3A_9 {offsets = [384, 0], sizes = [64, 768], strides = [1, 1]} : vector<768x768xf32> to vector<64x768xf32>
    %dot_general3A_144 = arith.constant dense<0.000000e+00> : vector<64x768xf32>
    %dot_general3A_145 = tpu.matmul %sub3A_142, %slice3A_143, %dot_general3A_144 {dimension_numbers = #tpu.dot_dimension_numbers<[1], [0], [0], [1], [0, 0, 1, 1], [], []>, transpose_lhs_hint = false} : vector<64x64xf32>, vector<64x768xf32>, vector<64x768xf32> -> vector<64x768xf32>
    %swap3A_146 = arith.constant 384 : index
    %swap3A_147 = arith.constant 0 : index
    %swap3A_148 = vector.load %arg6[%swap3A_146, %swap3A_147] : memref<768x768xf32, #tpu.memory_space<vmem>>, vector<64x768xf32>
    tpu.vector_store %arg6[%swap3A_146, %swap3A_147], %dot_general3A_145 {strides = array<i32>} : memref<768x768xf32, #tpu.memory_space<vmem>>, vector<64x768xf32>,
    %slice3A_149 = vector.extract_strided_slice %get3A_24 {offsets = [448, 0], sizes = [64, 768], strides = [1, 1]} : vector<768x768xf32> to vector<64x768xf32>
    %slice3A_150 = vector.extract_strided_slice %get3A_6 {offsets = [0, 448], sizes = [768, 64], strides = [1, 1]} : vector<768x768xf32> to vector<768x64xf32>
    %dot_general3A_151 = arith.constant dense<0.000000e+00> : vector<64x64xf32>
    %dot_general3A_152 = tpu.matmul %slice3A_149, %slice3A_150, %dot_general3A_151 {dimension_numbers = #tpu.dot_dimension_numbers<[1], [0], [0], [1], [0, 0, 1, 1], [], []>, transpose_lhs_hint = false} : vector<64x768xf32>, vector<768x64xf32>, vector<64x64xf32> -> vector<64x64xf32>
    %get3A_153 = arith.constant 0 : index
    %get3A_154 = arith.constant 448 : index
    %get3A_155 = vector.load %arg3[%get3A_153, %get3A_154] : memref<1x768xf32, #tpu.memory_space<vmem>>, vector<1x64xf32>
    %add3A_156 = vector.broadcast %get3A_155 : vector<1x64xf32> to vector<64x64xf32>
    %add3A_157 = arith.addf %dot_general3A_152, %add3A_156 : vector<64x64xf32>
    %slice3A_158 = vector.extract_strided_slice %add3A {offsets = [0, 448], sizes = [1, 64], strides = [1, 1]} : vector<1x768xf32> to vector<1x64xf32>
    %sub3A_159 = vector.broadcast %slice3A_158 : vector<1x64xf32> to vector<64x64xf32>
    %sub3A_160 = arith.subf %add3A_157, %sub3A_159 : vector<64x64xf32>
    %slice3A_161 = vector.extract_strided_slice %get3A_9 {offsets = [448, 0], sizes = [64, 768], strides = [1, 1]} : vector<768x768xf32> to vector<64x768xf32>
    %dot_general3A_162 = arith.constant dense<0.000000e+00> : vector<64x768xf32>
    %dot_general3A_163 = tpu.matmul %sub3A_160, %slice3A_161, %dot_general3A_162 {dimension_numbers = #tpu.dot_dimension_numbers<[1], [0], [0], [1], [0, 0, 1, 1], [], []>, transpose_lhs_hint = false} : vector<64x64xf32>, vector<64x768xf32>, vector<64x768xf32> -> vector<64x768xf32>
    %swap3A_164 = arith.constant 448 : index
    %swap3A_165 = arith.constant 0 : index
    %swap3A_166 = vector.load %arg6[%swap3A_164, %swap3A_165] : memref<768x768xf32, #tpu.memory_space<vmem>>, vector<64x768xf32>
    tpu.vector_store %arg6[%swap3A_164, %swap3A_165], %dot_general3A_163 {strides = array<i32>} : memref<768x768xf32, #tpu.memory_space<vmem>>, vector<64x768xf32>,
    %slice3A_167 = vector.extract_strided_slice %get3A_24 {offsets = [512, 0], sizes = [64, 768], strides = [1, 1]} : vector<768x768xf32> to vector<64x768xf32>
    %slice3A_168 = vector.extract_strided_slice %get3A_6 {offsets = [0, 512], sizes = [768, 64], strides = [1, 1]} : vector<768x768xf32> to vector<768x64xf32>
    %dot_general3A_169 = arith.constant dense<0.000000e+00> : vector<64x64xf32>
    %dot_general3A_170 = tpu.matmul %slice3A_167, %slice3A_168, %dot_general3A_169 {dimension_numbers = #tpu.dot_dimension_numbers<[1], [0], [0], [1], [0, 0, 1, 1], [], []>, transpose_lhs_hint = false} : vector<64x768xf32>, vector<768x64xf32>, vector<64x64xf32> -> vector<64x64xf32>
    %get3A_171 = arith.constant 0 : index
    %get3A_172 = arith.constant 512 : index
    %get3A_173 = vector.load %arg3[%get3A_171, %get3A_172] : memref<1x768xf32, #tpu.memory_space<vmem>>, vector<1x64xf32>
    %add3A_174 = vector.broadcast %get3A_173 : vector<1x64xf32> to vector<64x64xf32>
    %add3A_175 = arith.addf %dot_general3A_170, %add3A_174 : vector<64x64xf32>
    %slice3A_176 = vector.extract_strided_slice %add3A {offsets = [0, 512], sizes = [1, 64], strides = [1, 1]} : vector<1x768xf32> to vector<1x64xf32>
    %sub3A_177 = vector.broadcast %slice3A_176 : vector<1x64xf32> to vector<64x64xf32>
    %sub3A_178 = arith.subf %add3A_175, %sub3A_177 : vector<64x64xf32>
    %slice3A_179 = vector.extract_strided_slice %get3A_9 {offsets = [512, 0], sizes = [64, 768], strides = [1, 1]} : vector<768x768xf32> to vector<64x768xf32>
    %dot_general3A_180 = arith.constant dense<0.000000e+00> : vector<64x768xf32>
    %dot_general3A_181 = tpu.matmul %sub3A_178, %slice3A_179, %dot_general3A_180 {dimension_numbers = #tpu.dot_dimension_numbers<[1], [0], [0], [1], [0, 0, 1, 1], [], []>, transpose_lhs_hint = false} : vector<64x64xf32>, vector<64x768xf32>, vector<64x768xf32> -> vector<64x768xf32>
    %swap3A_182 = arith.constant 512 : index
    %swap3A_183 = arith.constant 0 : index
    %swap3A_184 = vector.load %arg6[%swap3A_182, %swap3A_183] : memref<768x768xf32, #tpu.memory_space<vmem>>, vector<64x768xf32>
    tpu.vector_store %arg6[%swap3A_182, %swap3A_183], %dot_general3A_181 {strides = array<i32>} : memref<768x768xf32, #tpu.memory_space<vmem>>, vector<64x768xf32>,
    %slice3A_185 = vector.extract_strided_slice %get3A_24 {offsets = [576, 0], sizes = [64, 768], strides = [1, 1]} : vector<768x768xf32> to vector<64x768xf32>
    %slice3A_186 = vector.extract_strided_slice %get3A_6 {offsets = [0, 576], sizes = [768, 64], strides = [1, 1]} : vector<768x768xf32> to vector<768x64xf32>
    %dot_general3A_187 = arith.constant dense<0.000000e+00> : vector<64x64xf32>
    %dot_general3A_188 = tpu.matmul %slice3A_185, %slice3A_186, %dot_general3A_187 {dimension_numbers = #tpu.dot_dimension_numbers<[1], [0], [0], [1], [0, 0, 1, 1], [], []>, transpose_lhs_hint = false} : vector<64x768xf32>, vector<768x64xf32>, vector<64x64xf32> -> vector<64x64xf32>
    %get3A_189 = arith.constant 0 : index
    %get3A_190 = arith.constant 576 : index
    %get3A_191 = vector.load %arg3[%get3A_189, %get3A_190] : memref<1x768xf32, #tpu.memory_space<vmem>>, vector<1x64xf32>
    %add3A_192 = vector.broadcast %get3A_191 : vector<1x64xf32> to vector<64x64xf32>
    %add3A_193 = arith.addf %dot_general3A_188, %add3A_192 : vector<64x64xf32>
    %slice3A_194 = vector.extract_strided_slice %add3A {offsets = [0, 576], sizes = [1, 64], strides = [1, 1]} : vector<1x768xf32> to vector<1x64xf32>
    %sub3A_195 = vector.broadcast %slice3A_194 : vector<1x64xf32> to vector<64x64xf32>
    %sub3A_196 = arith.subf %add3A_193, %sub3A_195 : vector<64x64xf32>
    %slice3A_197 = vector.extract_strided_slice %get3A_9 {offsets = [576, 0], sizes = [64, 768], strides = [1, 1]} : vector<768x768xf32> to vector<64x768xf32>
    %dot_general3A_198 = arith.constant dense<0.000000e+00> : vector<64x768xf32>
    %dot_general3A_199 = tpu.matmul %sub3A_196, %slice3A_197, %dot_general3A_198 {dimension_numbers = #tpu.dot_dimension_numbers<[1], [0], [0], [1], [0, 0, 1, 1], [], []>, transpose_lhs_hint = false} : vector<64x64xf32>, vector<64x768xf32>, vector<64x768xf32> -> vector<64x768xf32>
    %swap3A_200 = arith.constant 576 : index
    %swap3A_201 = arith.constant 0 : index
    %swap3A_202 = vector.load %arg6[%swap3A_200, %swap3A_201] : memref<768x768xf32, #tpu.memory_space<vmem>>, vector<64x768xf32>
    tpu.vector_store %arg6[%swap3A_200, %swap3A_201], %dot_general3A_199 {strides = array<i32>} : memref<768x768xf32, #tpu.memory_space<vmem>>, vector<64x768xf32>,
    %slice3A_203 = vector.extract_strided_slice %get3A_24 {offsets = [640, 0], sizes = [64, 768], strides = [1, 1]} : vector<768x768xf32> to vector<64x768xf32>
    %slice3A_204 = vector.extract_strided_slice %get3A_6 {offsets = [0, 640], sizes = [768, 64], strides = [1, 1]} : vector<768x768xf32> to vector<768x64xf32>
    %dot_general3A_205 = arith.constant dense<0.000000e+00> : vector<64x64xf32>
    %dot_general3A_206 = tpu.matmul %slice3A_203, %slice3A_204, %dot_general3A_205 {dimension_numbers = #tpu.dot_dimension_numbers<[1], [0], [0], [1], [0, 0, 1, 1], [], []>, transpose_lhs_hint = false} : vector<64x768xf32>, vector<768x64xf32>, vector<64x64xf32> -> vector<64x64xf32>
    %get3A_207 = arith.constant 0 : index
    %get3A_208 = arith.constant 640 : index
    %get3A_209 = vector.load %arg3[%get3A_207, %get3A_208] : memref<1x768xf32, #tpu.memory_space<vmem>>, vector<1x64xf32>
    %add3A_210 = vector.broadcast %get3A_209 : vector<1x64xf32> to vector<64x64xf32>
    %add3A_211 = arith.addf %dot_general3A_206, %add3A_210 : vector<64x64xf32>
    %slice3A_212 = vector.extract_strided_slice %add3A {offsets = [0, 640], sizes = [1, 64], strides = [1, 1]} : vector<1x768xf32> to vector<1x64xf32>
    %sub3A_213 = vector.broadcast %slice3A_212 : vector<1x64xf32> to vector<64x64xf32>
    %sub3A_214 = arith.subf %add3A_211, %sub3A_213 : vector<64x64xf32>
    %slice3A_215 = vector.extract_strided_slice %get3A_9 {offsets = [640, 0], sizes = [64, 768], strides = [1, 1]} : vector<768x768xf32> to vector<64x768xf32>
    %dot_general3A_216 = arith.constant dense<0.000000e+00> : vector<64x768xf32>
    %dot_general3A_217 = tpu.matmul %sub3A_214, %slice3A_215, %dot_general3A_216 {dimension_numbers = #tpu.dot_dimension_numbers<[1], [0], [0], [1], [0, 0, 1, 1], [], []>, transpose_lhs_hint = false} : vector<64x64xf32>, vector<64x768xf32>, vector<64x768xf32> -> vector<64x768xf32>
    %swap3A_218 = arith.constant 640 : index
    %swap3A_219 = arith.constant 0 : index
    %swap3A_220 = vector.load %arg6[%swap3A_218, %swap3A_219] : memref<768x768xf32, #tpu.memory_space<vmem>>, vector<64x768xf32>
    tpu.vector_store %arg6[%swap3A_218, %swap3A_219], %dot_general3A_217 {strides = array<i32>} : memref<768x768xf32, #tpu.memory_space<vmem>>, vector<64x768xf32>,
    %slice3A_221 = vector.extract_strided_slice %get3A_24 {offsets = [704, 0], sizes = [64, 768], strides = [1, 1]} : vector<768x768xf32> to vector<64x768xf32>
    %slice3A_222 = vector.extract_strided_slice %get3A_6 {offsets = [0, 704], sizes = [768, 64], strides = [1, 1]} : vector<768x768xf32> to vector<768x64xf32>
    %dot_general3A_223 = arith.constant dense<0.000000e+00> : vector<64x64xf32>
    %dot_general3A_224 = tpu.matmul %slice3A_221, %slice3A_222, %dot_general3A_223 {dimension_numbers = #tpu.dot_dimension_numbers<[1], [0], [0], [1], [0, 0, 1, 1], [], []>, transpose_lhs_hint = false} : vector<64x768xf32>, vector<768x64xf32>, vector<64x64xf32> -> vector<64x64xf32>
    %get3A_225 = arith.constant 0 : index
    %get3A_226 = arith.constant 704 : index
    %get3A_227 = vector.load %arg3[%get3A_225, %get3A_226] : memref<1x768xf32, #tpu.memory_space<vmem>>, vector<1x64xf32>
    %add3A_228 = vector.broadcast %get3A_227 : vector<1x64xf32> to vector<64x64xf32>
    %add3A_229 = arith.addf %dot_general3A_224, %add3A_228 : vector<64x64xf32>
    %slice3A_230 = vector.extract_strided_slice %add3A {offsets = [0, 704], sizes = [1, 64], strides = [1, 1]} : vector<1x768xf32> to vector<1x64xf32>
    %sub3A_231 = vector.broadcast %slice3A_230 : vector<1x64xf32> to vector<64x64xf32>
    %sub3A_232 = arith.subf %add3A_229, %sub3A_231 : vector<64x64xf32>
    %slice3A_233 = vector.extract_strided_slice %get3A_9 {offsets = [704, 0], sizes = [64, 768], strides = [1, 1]} : vector<768x768xf32> to vector<64x768xf32>
    %dot_general3A_234 = arith.constant dense<0.000000e+00> : vector<64x768xf32>
    %dot_general3A_235 = tpu.matmul %sub3A_232, %slice3A_233, %dot_general3A_234 {dimension_numbers = #tpu.dot_dimension_numbers<[1], [0], [0], [1], [0, 0, 1, 1], [], []>, transpose_lhs_hint = false} : vector<64x64xf32>, vector<64x768xf32>, vector<64x768xf32> -> vector<64x768xf32>
    %swap3A_236 = arith.constant 704 : index
    %swap3A_237 = arith.constant 0 : index
    %swap3A_238 = vector.load %arg6[%swap3A_236, %swap3A_237] : memref<768x768xf32, #tpu.memory_space<vmem>>, vector<64x768xf32>
    tpu.vector_store %arg6[%swap3A_236, %swap3A_237], %dot_general3A_235 {strides = array<i32>} : memref<768x768xf32, #tpu.memory_space<vmem>>, vector<64x768xf32>,
    return
  }
}

module attributes {stable_mosaic.version = 14 : i64} {
  func.func @_i_kernel(%arg0: memref<600xi32, #tpu.memory_space<smem>>, %arg1: memref<600xi32, #tpu.memory_space<smem>>, %arg2: memref<1x768xf32, #tpu.memory_space<vmem>>, %arg3: memref<768x768xf32, #tpu.memory_space<vmem>>, %arg4: memref<8192x768xf32, #tpu.memory_space<vmem>>) attributes {dimension_semantics = [], scalar_prefetch = 0 : i64, scratch_operands = 0 : i64, tpu.core_type = #tpu.core_type<tc>} {
    %get3A = arith.constant 0 : index
    %get3A_0 = arith.constant 0 : index
    %get3A_1 = vector.load %arg2[%get3A, %get3A_0] : memref<1x768xf32, #tpu.memory_space<vmem>>, vector<1x768xf32>
    %broadcast_in_dim3A = vector.shape_cast %get3A_1 : vector<1x768xf32> to vector<1x768xf32>
    %broadcast_in_dim3A_2 = vector.broadcast %broadcast_in_dim3A : vector<1x768xf32> to vector<8192x768xf32>
    %swap3A = arith.constant 0 : index
    %swap3A_3 = arith.constant 0 : index
    %swap3A_4 = vector.load %arg4[%swap3A, %swap3A_3] : memref<8192x768xf32, #tpu.memory_space<vmem>>, vector<8192x768xf32>
    tpu.vector_store %arg4[%swap3A, %swap3A_3], %broadcast_in_dim3A_2 {strides = array<i32>} : memref<8192x768xf32, #tpu.memory_space<vmem>>, vector<8192x768xf32>,
    %scan3A = arith.constant 0 : i32
    %scan3A_5 = arith.constant 600 : i32
    %scan3A_6 = arith.addi %scan3A, %scan3A_5 : i32
    %scan3A_7 = arith.constant 1 : i32
    scf.for %scan3A_9 = %scan3A to %scan3A_6 step %scan3A_7  : i32 {
      %get3A_10 = arith.index_cast %scan3A_9 : i32 to index
      %get3A_11 = memref.load %arg0[%get3A_10] : memref<600xi32, #tpu.memory_space<smem>>
      %get3A_12 = arith.index_cast %scan3A_9 : i32 to index
      %get3A_13 = memref.load %arg1[%get3A_12] : memref<600xi32, #tpu.memory_space<smem>>
      %get3A_14 = arith.index_cast %get3A_13 : i32 to index
      %get3A_15 = arith.constant 0 : index
      %get3A_16 = vector.load %arg4[%get3A_14, %get3A_15] : memref<8192x768xf32, #tpu.memory_space<vmem>>, vector<1x768xf32>
      %get3A_17 = arith.index_cast %get3A_11 : i32 to index
      %get3A_18 = arith.constant 0 : index
      %get3A_19 = vector.load %arg3[%get3A_17, %get3A_18] : memref<768x768xf32, #tpu.memory_space<vmem>>, vector<1x768xf32>
      %add3A = arith.addf %get3A_16, %get3A_19 : vector<1x768xf32>
      %swap3A_20 = arith.index_cast %get3A_13 : i32 to index
      %swap3A_21 = arith.constant 0 : index
      %swap3A_22 = vector.load %arg4[%swap3A_20, %swap3A_21] : memref<8192x768xf32, #tpu.memory_space<vmem>>, vector<1x768xf32>
      tpu.vector_store %arg4[%swap3A_20, %swap3A_21], %add3A {strides = array<i32>} : memref<8192x768xf32, #tpu.memory_space<vmem>>, vector<1x768xf32>,
    }
    %scan3A_8 = arith.constant 600 : i32
    return
  }
}

</mosaic_0001>

<sc_bundles>
// kernel: kernel.10.cloned.1.call-start
scs
__scs_entry_jumppad:
0x0: {  	(pc) =	sbr.rel $0x88, $3  }
0x1: {  	(tag) =	ssettag $0x0;
	lr =	simm.s32 $0x1  }
0x2: {  	[smem:$0x3F96] =	sst lr;
	_ =	strace $0xD0000000  }
0x3: {  	_ = 	snop  }
0x4: {  	_ = 	snop  }
0x5: {  	_ = 	snop  }
0x6: {  	_ = 	snop  }
0x7: {  	_ = 	snop  }
__scs_overlays_trampoline_lowered:
0x8: {  	[smem:$0x3FA5] =	sst s0  }
0x9: {  	[smem:$0x3FA6] =	sst s1  }
0xa: {  	[smem:$0x3FA7] =	sst s2  }
0xb: {  	[smem:$0x3FA8] =	sst s3  }
0xc: {  	[smem:$0x3FA9] =	sst s4  }
0xd: {  	[smem:$0x3FAA] =	sst s5  }
0xe: {  	[smem:$0x3FAB] =	sst s6  }
0xf: {  	[smem:$0x3FAC] =	sst s7  }
0x10: {  	[smem:$0x3FAD] =	sst s8  }
0x11: {  	[smem:$0x3FAE] =	sst s9;
	s0 =	simm.s32 @!p0 $0x0  }
0x12: {  	s1 =	sld [smem:$0x3F94];
	s0 =	simm.s32 @p0 $0x1  }
0x13: {  	[smem:$0x3FAF] =	sst s0;
	s0 =	simm.s32 @!p1 $0x0  }
0x14: {  	s2 =	sld [smem:$0x3F93];
	s0 =	simm.s32 @p1 $0x1  }
0x15: {  	[smem:$0x3FB0] =	sst s0;
	s0 =	simm.s32 @!p2 $0x0  }
0x16: {  	s3 =	sld [smem:$0x3FDB];
	s0 =	simm.s32 @p2 $0x1  }
0x17: {  	s4 =	simm.s32 $0x1BF5;
	[smem:$0x3FB2] =	sst s0  }
0x18: {  	s0 =	sld [smem:$0x3F95];
	_ =	swait.ge [sflag:s4], $0x0  }
0x19: {  	s7 =	sld [smem:$0x3F96]  }
0x1a: {  	s8 =	sadd.s32 $0xFFFFE003, lr  }
0x1b: {  	s9 =	sadd.s32 $0xFFFFFEF7, lr;
	s5 =	simm.s32 $0xFFFFFFFF;
	p2 =	slt.u32 s8, $0xFFFFF086  }
0x1c: {  	p1 =	slt.u32 s9, $0xF7A;
	s5 =	simm.s32 @!p2 $0x0  }
0x1d: {  	s5 =	simm.s32 @p1 $0x1;
	p0 =	seq.s32 s7, s2  }
0x1e: {  	s7 =	smul.u32 @!p0 $0xF7A, s2;
	p2 =	seq.s32 @!p0 s5, $0x0  }
0x1f: {  	s9 =	smul.u32 $0xF7A, s1;
	s8 =	simm.s32 @!p0 $0x1BF5;
	p2 =	por !p2, p0  }
0x20: {  	[sflag:s8] =	ssyncset.s32 @!p0 $0xFFFFF086;
	s6 =	sadd.s32 @!p0 s3, s7;
	s7 =	simm.s32 @!p0 $0x108  }
0x21: {  	s3 =	sadd.s32 s3, s9;
	s6 =	sadd.s32 @!p0 $0x88, s6;
	s7 =	simm.s32 @p2 $0x1082  }
0x22: {  	[simem:s7], [sflag:s8] =	dma.local @!p0 [hbm:s6], $0xF7A  }
0x23: {  	s9 =	sor.u32 $0xD0000000, s2;
	s6 =	simm.s32 $0x108;
	_ =	swait.ge @!p0 [sflag:s8], $0x0  }
0x24: {  	s3 =	sadd.s32 $0x88, s3;
	s6 =	simm.s32 @!p1 $0x1082;
	[sflag:s4] =	ssyncset.s32 $0xFFFFF086  }
0x25: {  	[simem:s6], [sflag:s4] =	dma.local [hbm:s3], $0xF7A  }
0x26: {  	[smem:$0x3F96] =	sst s1;
	(tag) =	ssettag s2;
	_ =	strace s9  }
0x27: {  	s1 =	sld [smem:$0x3FA6]  }
0x28: {  	s2 =	sld [smem:$0x3FA7]  }
0x29: {  	s4 =	sld [smem:$0x3FA9]  }
0x2a: {  	p0 =	seq.s32 s5, $0x0;
	s5 =	sld [smem:$0x3FAA]  }
0x2b: {  	s6 =	sld [smem:$0x3FAB]  }
0x2c: {  	s7 =	sld [smem:$0x3FAC]  }
0x2d: {  	s3 =	simm.s32 $0x108;
	s8 =	sld [smem:$0x3FAD]  }
0x2e: {  	s3 =	simm.s32 @!p0 $0x1082;
	s9 =	sld [smem:$0x3FAE]  }
0x2f: {  	lr =	sadd.s32 s0, s3;
	s0 =	sld [smem:$0x3FA5]  }
0x30: {  	s3 =	sld [smem:$0x3FA8]  }
0x31: {  	[smem:$0x3FB1] =	sst s10  }
0x32: {  	s10 =	sld [smem:$0x3FAF];
	_ =	sdelay $0x3  }
0x33: {  	p0 =	seq.s32 s10, $0x1;
	s10 =	sld [smem:$0x3FB1];
	_ =	sdelay $0x3  }
0x34: {  	[smem:$0x3FB1] =	sst s10  }
0x35: {  	s10 =	sld [smem:$0x3FB0];
	_ =	sdelay $0x3  }
0x36: {  	p1 =	seq.s32 s10, $0x1;
	s10 =	sld [smem:$0x3FB1];
	_ =	sdelay $0x3  }
0x37: {  	[smem:$0x3FB1] =	sst s10  }
0x38: {  	s10 =	sld [smem:$0x3FB2]  }
0x39: {  	_ = 	snop;
	(pc) =	sbr.ind lr, $3  }
0x3a: {  	_ = 	snop  }
0x3b: {  	_ = 	snop  }
0x3c: {  	p2 =	seq.s32 s10, $0x1;
	s10 =	sld [smem:$0x3FB1]  }
0x3d: {  	_ =	shalt  }
0x3e: {  	_ =	shalt  }
0x3f: {  	_ =	shalt  }
0x40: {  	_ =	shalt  }
0x41: {  	_ =	shalt  }
0x42: {  	_ =	shalt  }
0x43: {  	_ =	shalt  }
0x44: {  	_ =	shalt  }
0x45: {  	_ =	shalt  }
0x46: {  	_ =	shalt  }
0x47: {  	_ =	shalt  }
0x48: {  	_ =	shalt  }
0x49: {  	_ =	shalt  }
0x4a: {  	_ =	shalt  }
0x4b: {  	_ =	shalt  }
0x4c: {  	_ =	shalt  }
0x4d: {  	_ =	shalt  }
0x4e: {  	_ =	shalt  }
0x4f: {  	_ =	shalt  }
0x50: {  	_ =	shalt  }
0x51: {  	_ =	shalt  }
0x52: {  	_ =	shalt  }
0x53: {  	_ =	shalt  }
0x54: {  	_ =	shalt  }
0x55: {  	_ =	shalt  }
0x56: {  	_ =	shalt  }
0x57: {  	_ =	shalt  }
0x58: {  	_ =	shalt  }
0x59: {  	_ =	shalt  }
0x5a: {  	_ =	shalt  }
0x5b: {  	_ =	shalt  }
0x5c: {  	_ =	shalt  }
0x5d: {  	_ =	shalt  }
0x5e: {  	_ =	shalt  }
0x5f: {  	_ =	shalt  }
0x60: {  	_ =	shalt  }
0x61: {  	_ =	shalt  }
0x62: {  	_ =	shalt  }
0x63: {  	_ =	shalt  }
0x64: {  	_ =	shalt  }
0x65: {  	_ =	shalt  }
0x66: {  	_ =	shalt  }
0x67: {  	_ =	shalt  }
0x68: {  	_ =	shalt  }
0x69: {  	_ =	shalt  }
0x6a: {  	_ =	shalt  }
0x6b: {  	_ =	shalt  }
0x6c: {  	_ =	shalt  }
0x6d: {  	_ =	shalt  }
0x6e: {  	_ =	shalt  }
0x6f: {  	_ =	shalt  }
0x70: {  	_ =	shalt  }
0x71: {  	_ =	shalt  }
0x72: {  	_ =	shalt  }
0x73: {  	_ =	shalt  }
0x74: {  	_ =	shalt  }
0x75: {  	_ =	shalt  }
0x76: {  	_ =	shalt  }
0x77: {  	_ =	shalt  }
0x78: {  	_ =	shalt  }
0x79: {  	_ =	shalt  }
0x7a: {  	_ =	shalt  }
0x7b: {  	_ =	shalt  }
0x7c: {  	_ =	shalt  }
0x7d: {  	_ =	shalt  }
0x7e: {  	_ =	shalt  }
0x7f: {  	_ =	shalt  }
0x80: {  	_ =	shalt  }
0x81: {  	_ =	shalt  }
0x82: {  	_ =	shalt  }
0x83: {  	_ =	shalt  }
0x84: {  	_ =	shalt  }
0x85: {  	_ =	shalt  }
0x86: {  	_ =	shalt  }
0x87: {  	_ =	shalt  }
.Lfunc_end0:
.L_simem_size_0:
called_computation_lowered:
.L_overlay_start_0:
0x88: {  	s2 =	sld [smem:$0x3FD9]  }
0x89: {  	s3 =	sld [smem:$0x3FFE];
	_ =	sdelay $0x1  }
0x8a: {  	s1 =	srdreg.scid  }
0x8b: {  	s0 =	sand.u32 $0x1, s1  }
0x8c: {  	s15 =	sshll.u32 s0, $0xA;
	s2 =	sadd.s32 s3, s2  }
0x8d: {  	s2 =	sadd.s32 s2, s15  }
0x8e: {  	[smem:$0x3FBD] =	sst s2  }
0x8f: {  	_ = 	snop  }
0x90: {  	s2 =	sld [smem:$0x3FD0];
	_ =	sdelay $0x2  }
0x91: {  	s4 =	simm.s32 $0xA;
	s5 =	simm.s32 $0x10;
	s16 =	sld [smem:$0x3FC9]  }
0x92: {  	[smem:s5], [sflag:s4] =	dma.local [hbm:s2], $0x1  }
0x93: {  	_ =	swait.eq [sflag:s4], $0x1  }
0x94: {  	[sflag:s4] =	ssyncset.done $0x0  }
0x95: {  	s17 =	sld [smem:$0x10];
	[sflag:s4] =	ssyncadd.s32 $0xFFFFFFFF  }
0x96: {  	s18 =	sld [smem:$0x11];
	(tm) =	ssettm $0x1  }
0x97: {  	s19 =	sld [smem:$0x3FFB];
	_ =	sdelay $0x3  }
0x98: {  	_ =	strace s19  }
0x99: {  	s5 =	sld [smem:$0x3FFC];
	_ =	sdelay $0x3  }
0x9a: {  	_ =	strace s5  }
0x9b: {  	s5 =	sld [smem:$0x3FFD];
	_ =	sdelay $0x3  }
0x9c: {  	_ =	strace s5  }
0x9d: {  	_ =	strace $0x8FFFFFFF  }
0x9e: {  	s20 =	sld [smem:$0x3FDB];
	_ =	sdelay $0x1  }
0x9f: {  	s6 =	simm.s32 $_scs_section_size  }
0xa0: {  	s7 =	simm.s32 $_size__tile_overlayer_lowered;
	s8 =	simm.s32 $_tile_overlayer_lowered  }
0xa1: {  	s23 =	simm.s32 $0x1BFF;
	s22 =	sshll.u32 s8, $0x1;
	s5 =	sadd.s32 s6, s20  }
0xa2: {  	s9 =	simm.s32 $0x0;
	s21 =	sshll.u32 s7, $0x1;
	s7 =	sadd.s32 s22, s5  }
0xa3: {  	[timem:s9], [sflag:s23] =	dma.local [hbm:s7], s21  }
0xa4: {  	_ =	swait.ge [sflag:s23], s21  }
0xa5: {  	s6 =	ssub.s32 $0x0, s21;
	[sflag:s23] =	ssyncset.done $0x0  }
0xa6: {  	[sflag:s23] =	ssyncadd.s32 s6;
	_ =	sdelay $0x1  }
0xa7: {  	s24 =	simm.s32 $0x1B8B  }
0xa8: {  	_ =	swait.ge [sflag:s24], $0x1  }
0xa9: {  	[sflag:s24] =	ssyncset.done $0x0  }
0xaa: {  	s25 =	simm.s32 $0x1B8E;
	[sflag:s24] =	ssyncadd.s32 $0xFFFFFFFF  }
0xab: {  	s26 =	simm.s32 $execute0_lowered;
	[smem:$0x3FD2] =	sst s25  }
0xac: {  	s6 =	sshll.u32 s26, $0x1;
	_ =	strace $0x80000046;
	[dreg:$0x1] =	wrdreg $0xFFFFFFFF  }
0xad: {  	s28 =	simm.s32 $_size_execute0_lowered;
	s5 =	sadd.s32 s5, s6;
	[dreg:$0x0] =	wrdreg $0x0  }
0xae: {  	s6 =	sshll.u32 s28, $0x1;
	[dreg:$0x2] =	wrdreg s5  }
0xaf: {  	[dreg:$0x3] =	wrdreg s6  }
0xb0: {  	[dreg:$0x4] =	wrdreg $0xC0  }
0xb1: {  	_ =	task [dreg:s9], $0x5FFFF  }
0xb2: {  	[dreg:$0x1] =	wrdreg $0xFFFFFFFF  }
0xb3: {  	[dreg:$0x0] =	wrdreg $0x60  }
0xb4: {  	[dreg:$0x2] =	wrdreg s16  }
0xb5: {  	[dreg:$0x3] =	wrdreg s17  }
0xb6: {  	[dreg:$0x4] =	wrdreg s18  }
0xb7: {  	[dreg:$0x5] =	wrdreg $0x9  }
0xb8: {  	_ =	task.clear_ibuf [dreg:s9], $0x6FFFF;
	_ =	strace $0x90000046  }
0xb9: {  	s29 =	simm.s32 $0x9;
	_ =	strace $0x80000048  }
0xba: {  	_ =	swait.ge [sflag:s29], $0x1  }
0xbb: {  	[sflag:s29] =	ssyncadd.s32 $0xFFFFFFFF  }
0xbc: {  	_ =	strace $0x90000048  }
0xbd: {  	_ =	sfence  }
0xbe: {  	s30 =	sld [smem:$0x0];
	_ =	sdelay $0x2  }
0xbf: {  	s31 =	sshll.u32 s1, $0xD;
	s1 =	sshrl.u32 s1, $0x2  }
0xc0: {  	s3 =	sand.u32 $0x4000, s31;
	s1 =	sadd.s32 s1, s30  }
0xc1: {  	s0 =	sor.u32 s3, s0;
	s1 =	sshll.u32 s1, $0x11  }
0xc2: {  	s0 =	sor.u32 s1, s0  }
0xc3: {  	s0 =	sadd.s32 $0x8F2B, s0  }
0xc4: {  	[sflag:s0] =	ssyncadd.remote.s32 $0x1  }
0xc5: {  	_ =	sfence.sel $0xFFFF  }
0xc6: {  	[dreg:$0x0] =	wrdreg $0xFFFFFFFF;
	(pc) =	sbr.abs _section_cstart, $3  }
0xc7: {  	[dreg:$0x1] =	wrdreg $0xFFFFFFFF  }
0xc8: {  	_ =	task.clear_ibuf [dreg:s9], $0x2FFFF;
	_ =	strace $0x9FFFFFFF  }
0xc9: {  	(tm) =	ssettm $0x7FFFFFFF  }
tec
execute0_lowered:
.L_overlay_start_1:
0x0: {  	(tag) =	ssettag $0x1  }
0x1: {  	s2 =	rddreg [dreg:$0x0]  }
0x2: {  	s4 =	rddreg [dreg:$0x1];
	s0 =	srdreg.scid  }
0x3: {  	s7 =	rddreg [dreg:$0x2];
	s1 =	stileid.u32;
	s3 =	simm.s32 $0x0  }
0x4: {  	s10 =	simm.s32 $0x80;
	s11 =	simm.s32 $0x880;
	s12 =	simm.s32 $0x1080  }
0x5: {  	s13 =	simm.s32 $0x1880;
	s14 =	simm.s32 $0x2080;
	s15 =	simm.s32 $0x2880  }
0x6: {  	s16 =	simm.s32 $0x3080;
	s17 =	simm.s32 $0x3880;
	s18 =	simm.s32 $0x4080  }
0x7: {  	s19 =	simm.s32 $0x4880;
	s20 =	simm.s32 $0x5080;
	s21 =	simm.s32 $0x5880  }
0x8: {  	s22 =	simm.s32 $0x1;
	s5 =	sand.u32 $0x1, s0;
	s0 =	rddreg [dreg:$0x3]  }
0x9: {  	s6 =	sshll.u32 s1, $0x3;
	s8 =	sshll.u32 s5, $0x2;
	s5 =	ssub.s32 $0x2, s5  }
0xa: {  	[smem:$0x7FF] =	sst s3;
	s6 =	sor.u32 s8, s6;
	s31 =	sshrl.u32 s5, $0x1  }
0xb: {  	v2 =	vlaneseq.u32;
	_ =	strace $0x80000047;
	s9 =	smul.u32 $0x300, s6;
	s8 =	ssub.s32 s5, s31  }
0xc: {  	vm0 =	vmmov $0xffff;
	v1 =	vshrl.u32 v2, $0x3;
	s4 =	sadd.s32 s4, s6;
	s5 =	sadd.s32 $0x100, s2;
	s6 =	sadd.s32 $0x200, s2  }
0xd: {  	v0 =	vand.u32 $0x7, v2;
	v2 =	vor.u32 $0x8, v2;
	v1 =	vmul.u32 $0x8, v1;
	s8 =	smax.u32 s8, $0x1;
	s7 =	sadd.s32 s7, s9;
	s9 =	simm.s32 $0x2  }
.LBB2_1:
0xe: {  	[tilespmem:s3], [sflag:$0x2] =	stream.linear.gather [hbm4b:s4+s3], $0x20, $0x38;
	[tilespmem:$0x6080] =	vst v63  }
0xf: {  	_ =	swait.ge [sflag:s9], $0x20  }
0x10: {  	[sflag:s9] =	ssyncset.done $0x0  }
0x11: {  	[sflag:s9] =	ssyncadd.s32 $0xFFFFFFE0  }
0x12: {  	v3 =	vld [tilespmem:$0x0];
	_ =	sdelay $0x4  }
0x13: {  	v4 =	vshrl.u32 v3, $0x3  }
0x14: {  	v4 =	vmul.u32 $0x30, v4  }
0x15: {  	v3 =	vand.u32 $0x7, v3  }
0x16: {  	v3 =	vor.u32 v3, v4  }
0x17: {  	v4 =	vperm.xlane v3, v0;
	_ =	sdelay $0x1  }
0x18: {  	v4 =	vadd.s32 v1, v4;
	_ =	sdelay $0x3  }
0x19: {  	v3 =	vperm.xlane v3, v2  }
0x1a: {  	[tilespmem:s10], [sflag:$0x1] =	stream.indirect_vreg.gather [hbm4b:s2+s3], $0x80, v4, vm0, $0xb8;
	[tilespmem:$0x6080] =	vst v63  }
0x1b: {  	v3 =	vadd.s32 v1, v3  }
0x1c: {  	[tilespmem:s11], [sflag:$0x1] =	stream.indirect_vreg.gather [hbm4b:s5+s3], $0x80, v4, vm0, $0xb8;
	[tilespmem:$0x6080] =	vst v63  }
0x1d: {  	_ = 	snop  }
0x1e: {  	[tilespmem:s12], [sflag:$0x1] =	stream.indirect_vreg.gather [hbm4b:s6+s3], $0x80, v4, vm0, $0xb8;
	[tilespmem:$0x6080] =	vst v63  }
0x1f: {  	_ = 	snop  }
0x20: {  	[tilespmem:s13], [sflag:$0x1] =	stream.indirect_vreg.gather [hbm4b:s2+s3], $0x80, v3, vm0, $0xb8;
	[tilespmem:$0x6080] =	vst v63  }
0x21: {  	_ = 	snop  }
0x22: {  	[tilespmem:s14], [sflag:$0x1] =	stream.indirect_vreg.gather [hbm4b:s5+s3], $0x80, v3, vm0, $0xb8;
	[tilespmem:$0x6080] =	vst v63  }
0x23: {  	_ = 	snop  }
0x24: {  	[tilespmem:s15], [sflag:$0x1] =	stream.indirect_vreg.gather [hbm4b:s6+s3], $0x80, v3, vm0, $0xb8;
	[tilespmem:$0x6080] =	vst v63  }
0x25: {  	v3 =	vld [tilespmem:$0x10];
	_ =	sdelay $0x4  }
0x26: {  	v63 =	vshrl.u32 v3, $0x3  }
0x27: {  	v4 =	vmul.u32 $0x30, v63  }
0x28: {  	v3 =	vand.u32 $0x7, v3  }
0x29: {  	v3 =	vor.u32 v3, v4  }
0x2a: {  	v4 =	vperm.xlane v3, v0;
	_ =	sdelay $0x1  }
0x2b: {  	v4 =	vadd.s32 v1, v4;
	_ =	sdelay $0x3  }
0x2c: {  	v3 =	vperm.xlane v3, v2  }
0x2d: {  	[tilespmem:s16], [sflag:$0x1] =	stream.indirect_vreg.gather [hbm4b:s2+s3], $0x80, v4, vm0, $0xb8;
	[tilespmem:$0x6080] =	vst v63  }
0x2e: {  	v3 =	vadd.s32 v1, v3  }
0x2f: {  	[tilespmem:s17], [sflag:$0x1] =	stream.indirect_vreg.gather [hbm4b:s5+s3], $0x80, v4, vm0, $0xb8;
	[tilespmem:$0x6080] =	vst v63  }
0x30: {  	_ = 	snop  }
0x31: {  	[tilespmem:s18], [sflag:$0x1] =	stream.indirect_vreg.gather [hbm4b:s6+s3], $0x80, v4, vm0, $0xb8;
	[tilespmem:$0x6080] =	vst v63  }
0x32: {  	_ = 	snop  }
0x33: {  	[tilespmem:s19], [sflag:$0x1] =	stream.indirect_vreg.gather [hbm4b:s2+s3], $0x80, v3, vm0, $0xb8;
	[tilespmem:$0x6080] =	vst v63  }
0x34: {  	_ = 	snop  }
0x35: {  	[tilespmem:s20], [sflag:$0x1] =	stream.indirect_vreg.gather [hbm4b:s5+s3], $0x80, v3, vm0, $0xb8;
	[tilespmem:$0x6080] =	vst v63  }
0x36: {  	_ = 	snop  }
0x37: {  	[tilespmem:s21], [sflag:$0x1] =	stream.indirect_vreg.gather [hbm4b:s6+s3], $0x80, v3, vm0, $0xb8;
	[tilespmem:$0x6080] =	vst v63  }
0x38: {  	_ =	swait.ge [sflag:s22], $0x6000  }
0x39: {  	p0 =	sne.s32 s8, $0x1;
	[sflag:s22] =	ssyncset.done $0x0  }
.Ltmp0:
0x3a: {  	[sflag:s22] =	ssyncadd.s32 $0xFFFFA000;
	(pc) =	sbr.rel @p0 .LBB2_1-.Ltmp0, $4  }
0x3b: {  	[hbm4b:s7+s3] =	stream.linear.scatter [tilespmem:s10], [sflag:$0x2], $0x6000, $0x38;
	[tilespmem:$0x6080] =	vst v63  }
0x3c: {  	_ =	swait.ge [sflag:s9], $0x6000  }
0x3d: {  	[sflag:s9] =	ssyncset.done $0x0  }
0x3e: {  	s8 =	sadd.s32 $0xFFFFFFFF, s8;
	[sflag:s9] =	ssyncadd.s32 $0xFFFFA000  }
0x3f: {  	_ =	sfence.sel $0x180000  }
0x40: {  	[bflag:$0x0] =	sbarrier.arrive $0xFFFF  }
0x41: {  	p0 =	sne.s32 s1, $0x0;
	_ =	strace $0x90000047  }
0x42: {  	s0 =	sadd.s32 @!p0 $0x100000, s0;
	[bflag:$0x2] =	sbarrier.arrive $0xFFFF  }
0x43: {  	[sflag:s0] =	ssyncadd.tile.s32 @!p0 $0x1;
	_ =	shalt  }
.Lfunc_end2:
_tile_overlayer_lowered:
.L_overlay_start_2:
0x44: {  	(tag) =	ssettag $0x2  }
0x45: {  	s0 =	rddreg [dreg:$0x0];
	s2 =	stileid.u32  }
0x46: {  	s1 =	rddreg [dreg:$0x1];
	p0 =	sne.s32 s2, $0x0  }
0x47: {  	s3 =	rddreg [dreg:$0x2];
	[bflag:$0x3] =	sbarrier.arrive $0xFFFF;
	s2 =	simm.s32 @!p0 $0x1C02  }
0x48: {  	[timem:s3], [sflag:s2] =	dma.local @!p0 [hbm:s0], s1  }
0x49: {  	s0 =	simm.s32 @!p0 $0x2  }
0x4a: {  	_ =	swait.ge @!p0 [sflag:s0], s1  }
0x4b: {  	s1 =	ssub.s32 @!p0 $0x0, s1;
	[sflag:s0] =	ssyncset.done @!p0 $0x0  }
0x4c: {  	[sflag:s0] =	ssyncadd.s32 @!p0 s1  }
0x4d: {  	[bflag:$0x3] =	sbarrier.arrive $0xFFFF  }
0x4e: {  	_ =	shalt  }

</sc_bundles>
